<compile_context>
chip_gen: v7x
topology: tpu7x:2x2x1
jax: 0.10.2.dev20260603
libtpu: 0.0.44.dev20260713+nightly
codegen_flags: <defaults>
</compile_context>

<pallas_src>
import functools

import jax
import jax.numpy as jnp
from jax import lax
from jax.experimental import pallas as pl
from jax.experimental.pallas import tpu as pltpu
from jax.experimental.pallas import tpu_sc as plsc

N = 50000
D = 256
DC = 32
NCHUNK = D // DC
NCORE = 2
NSUB = 16
RPT = 3200
KPT = RPT // 128
RPT_L = N - 15 * RPT
KPT_L = 16
NIDX = NSUB * KPT * 128
ZROWS = 625
BLK = 5000
NBLK = N // BLK


def _sc_body(x_hbm, idx_hbm, out_hbm, table, xv, idxv, zbuf, sem, sem2):
    c = lax.axis_index("c")
    s = lax.axis_index("s")
    row0 = s * RPT

    pltpu.sync_copy(idx_hbm.at[s], idxv)

    def _zb(k, _):
        zbuf[k, :] = jnp.zeros((DC,), jnp.bfloat16)
        return _
    lax.fori_loop(0, ZROWS, _zb, None)

    def _chunk(cc, _):
        chunk = c * (NCHUNK // NCORE) + cc
        col = chunk * DC

        @pl.when(s < NSUB - 1)
        def _():
            din = pltpu.async_copy(
                x_hbm.at[pl.ds(row0, RPT), pl.ds(col, DC)], xv, sem2)

            def _z(z, _):
                pltpu.sync_copy(
                    zbuf, table.at[pl.ds((s * 5 + z) * ZROWS, ZROWS), :])
                return _
            lax.fori_loop(0, 5, _z, None)
            din.wait()

        @pl.when(s == NSUB - 1)
        def _():
            din = pltpu.async_copy(
                x_hbm.at[pl.ds(row0, RPT_L), pl.ds(col, DC)],
                xv.at[pl.ds(0, RPT_L), :], sem2)

            def _z(z, _):
                pltpu.sync_copy(
                    zbuf, table.at[pl.ds((s * 5 + z) * ZROWS, ZROWS), :])
                return _
            lax.fori_loop(0, 5, _z, None)

            def _zt(k, _):
                xv[RPT_L + k, :] = jnp.zeros((DC,), jnp.bfloat16)
                return _
            lax.fori_loop(0, KPT_L * 128 - RPT_L, _zt, None)
            din.wait()

        plsc.subcore_barrier()

        def _scat(j, _):
            pltpu.async_copy(xv.at[pl.ds(j * 128, 128), :],
                             table.at[idxv.at[j]], sem, add=True)
            return _

        @pl.when(s < NSUB - 1)
        def _():
            lax.fori_loop(0, KPT, _scat, None)
            pltpu.make_async_copy(
                x_hbm.at[pl.ds(0, RPT), pl.ds(0, DC)], xv, sem).wait()

        @pl.when(s == NSUB - 1)
        def _():
            lax.fori_loop(0, KPT_L, _scat, None)
            pltpu.make_async_copy(
                x_hbm.at[pl.ds(0, KPT_L * 128), pl.ds(0, DC)],
                xv.at[pl.ds(0, KPT_L * 128), :], sem).wait()

        plsc.subcore_barrier()

        def _gath(j, _):
            pltpu.async_copy(table.at[idxv.at[j]],
                             xv.at[pl.ds(j * 128, 128), :], sem)
            return _

        @pl.when(s < NSUB - 1)
        def _():
            lax.fori_loop(0, KPT, _gath, None)
            pltpu.make_async_copy(
                x_hbm.at[pl.ds(0, RPT), pl.ds(0, DC)], xv, sem).wait()
            pltpu.sync_copy(xv, out_hbm.at[pl.ds(row0, RPT), pl.ds(col, DC)])

        @pl.when(s == NSUB - 1)
        def _():
            lax.fori_loop(0, KPT_L, _gath, None)
            pltpu.make_async_copy(
                x_hbm.at[pl.ds(0, KPT_L * 128), pl.ds(0, DC)],
                xv.at[pl.ds(0, KPT_L * 128), :], sem).wait()
            pltpu.sync_copy(xv.at[pl.ds(0, RPT_L), :],
                            out_hbm.at[pl.ds(row0, RPT_L), pl.ds(col, DC)])

        plsc.subcore_barrier()
        return _

    lax.fori_loop(0, NCHUNK // NCORE, _chunk, None)


def _sc_gather_scatter(x, idx3d):
    mesh = plsc.VectorSubcoreMesh(core_axis_name="c", subcore_axis_name="s",
                                  num_cores=NCORE, num_subcores=NSUB)
    f = pl.kernel(
        _sc_body,
        out_type=jax.ShapeDtypeStruct((N, D), jnp.bfloat16),
        mesh=mesh,
        scratch_types=[
            pltpu.VMEM_SHARED((N, DC), jnp.bfloat16),
            pltpu.VMEM((RPT, DC), jnp.bfloat16),
            pltpu.VMEM((KPT, 128), jnp.int32),
            pltpu.VMEM((ZROWS, DC), jnp.bfloat16),
            pltpu.SemaphoreType.DMA,
            pltpu.SemaphoreType.DMA,
        ],
        compiler_params=pltpu.CompilerParams(use_tc_tiling_on_sc=False),
    )
    return f(x, idx3d)


def _mlp1_body(eps_ref, x_ref, g_ref, w1_ref, y_ref, ssum_ref, ssq_ref):
    i = pl.program_id(0)
    eps1 = 1.0 + eps_ref[0, 0]
    h = x_ref[...] * eps1 + g_ref[...].astype(jnp.float32)
    y = lax.dot_general(h, w1_ref[...], (((1,), (1,)), ((), ())),
                        preferred_element_type=jnp.float32,
                        precision=lax.Precision.DEFAULT)
    y_ref[...] = y.astype(jnp.bfloat16)
    s = jnp.sum(y, axis=0, keepdims=True)
    q = jnp.sum(y * y, axis=0, keepdims=True)

    @pl.when(i == 0)
    def _():
        ssum_ref[...] = s
        ssq_ref[...] = q

    @pl.when(i != 0)
    def _():
        ssum_ref[...] += s
        ssq_ref[...] += q


def _mlp1(eps, x, g, w1):
    return pl.pallas_call(
        _mlp1_body,
        grid=(NBLK,),
        in_specs=[
            pl.BlockSpec((1, 1), lambda i: (0, 0)),
            pl.BlockSpec((BLK, D), lambda i: (i, 0)),
            pl.BlockSpec((BLK, D), lambda i: (i, 0)),
            pl.BlockSpec((D, D), lambda i: (0, 0)),
        ],
        out_specs=[
            pl.BlockSpec((BLK, D), lambda i: (i, 0)),
            pl.BlockSpec((1, D), lambda i: (0, 0)),
            pl.BlockSpec((1, D), lambda i: (0, 0)),
        ],
        out_shape=[
            jax.ShapeDtypeStruct((N, D), jnp.bfloat16),
            jax.ShapeDtypeStruct((1, D), jnp.float32),
            jax.ShapeDtypeStruct((1, D), jnp.float32),
        ],
        compiler_params=pltpu.CompilerParams(
            dimension_semantics=("arbitrary",)),
    )(eps, x, g, w1)


def _mlp2_body(y_ref, ssum_ref, ssq_ref, gamma_ref, beta_ref, w2_ref, o_ref):
    inv_n = 1.0 / N
    mu = ssum_ref[...] * inv_n
    var = ssq_ref[...] * inv_n - mu * mu
    scale = gamma_ref[...] * lax.rsqrt(var + 1e-5)
    shift = beta_ref[...] - mu * scale
    z = jnp.maximum(y_ref[...].astype(jnp.float32) * scale + shift, 0.0)
    o_ref[...] = lax.dot_general(z, w2_ref[...], (((1,), (1,)), ((), ())),
                                 preferred_element_type=jnp.float32,
                                 precision=lax.Precision.DEFAULT)


def _mlp2(y, ssum, ssq, gamma, beta, w2):
    return pl.pallas_call(
        _mlp2_body,
        grid=(NBLK,),
        in_specs=[
            pl.BlockSpec((BLK, D), lambda i: (i, 0)),
            pl.BlockSpec((1, D), lambda i: (0, 0)),
            pl.BlockSpec((1, D), lambda i: (0, 0)),
            pl.BlockSpec((1, D), lambda i: (0, 0)),
            pl.BlockSpec((1, D), lambda i: (0, 0)),
            pl.BlockSpec((D, D), lambda i: (0, 0)),
        ],
        out_specs=pl.BlockSpec((BLK, D), lambda i: (i, 0)),
        out_shape=jax.ShapeDtypeStruct((N, D), jnp.float32),
        compiler_params=pltpu.CompilerParams(
            dimension_semantics=("arbitrary",)),
    )(y, ssum, ssq, gamma, beta, w2)


def kernel(x, index_add, eps_param, W1, gamma, beta, W2):
    idx = index_add.astype(jnp.int32)
    pad_idx = (jnp.arange(NIDX - N, dtype=jnp.int32) * 41) % N
    idx3d = jnp.concatenate([idx, pad_idx]).reshape(NSUB, KPT, 128)

    g_bf16 = _sc_gather_scatter(x.astype(jnp.bfloat16), idx3d)

    eps = eps_param.reshape(1, 1)
    y, ssum, ssq = _mlp1(eps, x, g_bf16, W1)
    out = _mlp2(y, ssum, ssq, gamma.reshape(1, D), beta.reshape(1, D), W2)
    return out

# --- scband reference (transcript-rebuilt; emitter-appended) ---
"""Pipeline reference for scband-g-62362925138442 (READ-ONLY COPY).

The authoritative reference and input builder live on the scoring server;
editing this copy changes nothing except your own understanding.
"""

import jax, jax.numpy as jnp
import numpy as np

N = 50000
D = 256

def setup_inputs(seed: int = 0) -> dict:
    key = jax.random.key(seed)
    k1, k2, k3, k4 = jax.random.split(key, 4)
    x = jax.random.normal(k1, (N, D), dtype=jnp.float32)
    index_add = jax.random.randint(k2, (N,), 0, N, dtype=jnp.int64)
    # MLP params per init_kwargs: input=256, hidden=256, output=256, norm=True (no bias on linears)
    W1 = jax.random.normal(k3, (D, D), dtype=jnp.float32) * 0.05
    W2 = jax.random.normal(k4, (D, D), dtype=jnp.float32) * 0.05
    gamma = jnp.ones((D,), dtype=jnp.float32)
    beta = jnp.zeros((D,), dtype=jnp.float32)
    eps_param = jnp.zeros((1,), dtype=jnp.float32)
    return {"x": x, "index_add": index_add, "eps_param": eps_param,
            "W1": W1, "gamma": gamma, "beta": beta, "W2": W2}

def reference(x, index_add, eps_param, W1, gamma, beta, W2):
    # scatter-add: sum node features into segments given by index
    seg = jax.ops.segment_sum(x, index_add, num_segments=N)
    # index_select: gather segment sums back per node
    gathered = jnp.take(seg, index_add, axis=0)
    # GIN update: (1 + eps) * x + aggregated
    h = x * (1.0 + eps_param[0]) + gathered
    # MLP: Linear(no bias) -> BatchNorm1d (training stats) -> ReLU -> Linear(no bias)
    h = h @ W1.T
    mu = jnp.mean(h, axis=0)
    var = jnp.var(h, axis=0)
    h = (h - mu) / jnp.sqrt(var + 1e-5) * gamma + beta
    h = jax.nn.relu(h)
    out = h @ W2.T
    return out

if __name__ == "__main__":
    import jax
    _d = setup_inputs()
    print(jax.jit(kernel)(*tuple(_d.values())))

</pallas_src>

<mosaic_0001>
#map = affine_map<(d0, d1) -> (0, 0)>
#map1 = affine_map<(d0, d1) -> (0, 0, 0)>
module attributes {stable_mosaic.version = 14 : i64} {
  func.func @_sc_body(%arg0: i32, %arg1: i32, %arg2: memref<50000x256xbf16, #tpu.memory_space<hbm>>, %arg3: memref<16x25x128xi32, #tpu.memory_space<hbm>>, %arg4: memref<50000x256xbf16, #tpu.memory_space<hbm>>, %arg5: memref<50000x32xbf16, #tpu.memory_space<vmem_shared>>, %arg6: memref<3200x32xbf16, #tpu.memory_space<vmem>>, %arg7: memref<25x128xi32, #tpu.memory_space<vmem>>, %arg8: memref<625x32xbf16, #tpu.memory_space<vmem>>, %arg9: memref<!tpu.dma_semaphore, #tpu.memory_space<semaphore_mem>>, %arg10: memref<!tpu.dma_semaphore, #tpu.memory_space<semaphore_mem>>) attributes {dimension_semantics = [#tpu.dimension_semantics<core_parallel>, #tpu.dimension_semantics<subcore_parallel>], iteration_bounds = array<i64: 2, 16>, scalar_prefetch = 0 : i64, scratch_operands = 6 : i64, tpu.core_type = #tpu.core_type<sc_vector_subcore>, window_params = [{transform_indices = #map}, {transform_indices = #map1}, {transform_indices = #map}]} {
    %mul3A = arith.constant 3200 : i32
    %mul3A_0 = arith.muli %arg1, %mul3A : i32
    "tpu.region"() ({
      %run_scoped3A = tpu.sem_alloc : memref<!tpu.dma_semaphore, #tpu.memory_space<semaphore_mem>>
      %dma_start3A = arith.constant 0 : i32
      %dma_start3A_10 = arith.constant 0 : i32
      %dma_start3A_11 = tpu.memref_slice %arg3[%arg1, %dma_start3A, %dma_start3A_10] : memref<16x25x128xi32, #tpu.memory_space<hbm>> -> memref<1x25x128xi32, #tpu.memory_space<hbm>>
      %dma_start3A_12 = tpu.memref_squeeze %dma_start3A_11 : memref<1x25x128xi32, #tpu.memory_space<hbm>> -> memref<25x128xi32, #tpu.memory_space<hbm>>
      %dma_start3A_13 = arith.constant 0 : i32
      %dma_start3A_14 = arith.constant 0 : i32
      %dma_start3A_15 = tpu.memref_slice %arg3[%arg1, %dma_start3A_13, %dma_start3A_14] : memref<16x25x128xi32, #tpu.memory_space<hbm>> -> memref<1x25x128xi32, #tpu.memory_space<hbm>>
      %dma_start3A_16 = tpu.memref_squeeze %dma_start3A_15 : memref<1x25x128xi32, #tpu.memory_space<hbm>> -> memref<25x128xi32, #tpu.memory_space<hbm>>
      tpu.enqueue_dma source(%dma_start3A_16 : memref<25x128xi32, #tpu.memory_space<hbm>>) target(%arg7 : memref<25x128xi32, #tpu.memory_space<vmem>>) target_semaphore(%run_scoped3A : memref<!tpu.dma_semaphore, #tpu.memory_space<semaphore_mem>>)
      %dma_wait3A = arith.constant 0 : i32
      %dma_wait3A_17 = arith.constant 0 : i32
      %dma_wait3A_18 = tpu.memref_slice %arg3[%arg1, %dma_wait3A, %dma_wait3A_17] : memref<16x25x128xi32, #tpu.memory_space<hbm>> -> memref<1x25x128xi32, #tpu.memory_space<hbm>>
      %dma_wait3A_19 = tpu.memref_squeeze %dma_wait3A_18 : memref<1x25x128xi32, #tpu.memory_space<hbm>> -> memref<25x128xi32, #tpu.memory_space<hbm>>
      %dma_wait3A_20 = arith.constant 0 : i32
      %dma_wait3A_21 = arith.constant 0 : i32
      %dma_wait3A_22 = tpu.memref_slice %arg3[%arg1, %dma_wait3A_20, %dma_wait3A_21] : memref<16x25x128xi32, #tpu.memory_space<hbm>> -> memref<1x25x128xi32, #tpu.memory_space<hbm>>
      %dma_wait3A_23 = tpu.memref_squeeze %dma_wait3A_22 : memref<1x25x128xi32, #tpu.memory_space<hbm>> -> memref<25x128xi32, #tpu.memory_space<hbm>>
      tpu.wait_dma2 semaphore(%run_scoped3A : memref<!tpu.dma_semaphore, #tpu.memory_space<semaphore_mem>>) src(%dma_wait3A_23 : memref<25x128xi32, #tpu.memory_space<hbm>>) dst(%arg7 : memref<25x128xi32, #tpu.memory_space<vmem>>)
      tpu.yield
    }) : () -> ()
    %scan3A = arith.constant 0 : i32
    %scan3A_1 = arith.constant 625 : i32
    %scan3A_2 = arith.addi %scan3A, %scan3A_1 : i32
    %scan3A_3 = arith.constant 1 : i32
    scf.for %scan3A_10 = %scan3A to %scan3A_2 step %scan3A_3  : i32 {
      %broadcast_in_dim3A = arith.constant 0.000000e+00 : bf16
      %broadcast_in_dim3A_11 = vector.broadcast %broadcast_in_dim3A : bf16 to vector<32xbf16>
      %swap3A = arith.index_cast %scan3A_10 : i32 to index
      %swap3A_12 = arith.constant 0 : index
      %swap3A_13 = tpu.vector_load %arg8[%swap3A, %swap3A_12] {strides = array<i32>} : memref<625x32xbf16, #tpu.memory_space<vmem>>, vector<1x32xbf16>,
      %swap3A_14 = vector.shape_cast %swap3A_13 : vector<1x32xbf16> to vector<32xbf16>
      %swap3A_15 = vector.shape_cast %broadcast_in_dim3A_11 : vector<32xbf16> to vector<1x32xbf16>
      tpu.vector_store %arg8[%swap3A, %swap3A_12], %swap3A_15 {strides = array<i32>} : memref<625x32xbf16, #tpu.memory_space<vmem>>, vector<1x32xbf16>,
    }
    %scan3A_4 = arith.constant 625 : i32
    %scan3A_5 = arith.constant 0 : i32
    %scan3A_6 = arith.constant 4 : i32
    %scan3A_7 = arith.addi %scan3A_5, %scan3A_6 : i32
    %scan3A_8 = arith.constant 1 : i32
    scf.for %scan3A_10 = %scan3A_5 to %scan3A_7 step %scan3A_8  : i32 {
      %mul3A_11 = arith.constant 4 : i32
      %mul3A_12 = arith.muli %arg0, %mul3A_11 : i32
      %add3A = arith.addi %mul3A_12, %scan3A_10 : i32
      %mul3A_13 = arith.constant 32 : i32
      %mul3A_14 = arith.muli %add3A, %mul3A_13 : i32
      %lt3A = arith.constant 15 : i32
      %lt3A_15 = arith.cmpi slt, %arg1, %lt3A : i32
      %convert_element_type3A = arith.extui %lt3A_15 : i1 to i32
      %cond3A = arith.constant 0 : i32
      %cond3A_16 = arith.cmpi ne, %convert_element_type3A, %cond3A : i32
      scf.if %cond3A_16 {
        %dma_start3A = tpu.memref_slice %arg2[%mul3A_0, %mul3A_14] : memref<50000x256xbf16, #tpu.memory_space<hbm>> -> memref<3200x32xbf16, #tpu.memory_space<hbm>>
        %dma_start3A_43 = tpu.memref_slice %arg2[%mul3A_0, %mul3A_14] : memref<50000x256xbf16, #tpu.memory_space<hbm>> -> memref<3200x32xbf16, #tpu.memory_space<hbm>>
        tpu.enqueue_dma source(%dma_start3A_43 : memref<3200x32xbf16, #tpu.memory_space<hbm>>) target(%arg6 : memref<3200x32xbf16, #tpu.memory_space<vmem>>) target_semaphore(%arg10 : memref<!tpu.dma_semaphore, #tpu.memory_space<semaphore_mem>>)
        %scan3A_44 = arith.constant 0 : i32
        %scan3A_45 = arith.constant 5 : i32
        %scan3A_46 = arith.addi %scan3A_44, %scan3A_45 : i32
        %scan3A_47 = arith.constant 1 : i32
        scf.for %scan3A_50 = %scan3A_44 to %scan3A_46 step %scan3A_47  : i32 {
          %mul3A_51 = arith.constant 5 : i32
          %mul3A_52 = arith.muli %arg1, %mul3A_51 : i32
          %add3A_53 = arith.addi %mul3A_52, %scan3A_50 : i32
          %mul3A_54 = arith.constant 625 : i32
          %mul3A_55 = arith.muli %add3A_53, %mul3A_54 : i32
          "tpu.region"() ({
            %run_scoped3A = tpu.sem_alloc : memref<!tpu.dma_semaphore, #tpu.memory_space<semaphore_mem>>
            %dma_start3A_56 = arith.constant 0 : i32
            %dma_start3A_57 = tpu.memref_slice %arg5[%mul3A_55, %dma_start3A_56] : memref<50000x32xbf16, #tpu.memory_space<vmem_shared>> -> memref<625x32xbf16, #tpu.memory_space<vmem_shared>>
            %dma_start3A_58 = arith.constant 0 : i32
            %dma_start3A_59 = tpu.memref_slice %arg5[%mul3A_55, %dma_start3A_58] : memref<50000x32xbf16, #tpu.memory_space<vmem_shared>> -> memref<625x32xbf16, #tpu.memory_space<vmem_shared>>
            tpu.enqueue_dma source(%arg8 : memref<625x32xbf16, #tpu.memory_space<vmem>>) target(%dma_start3A_59 : memref<625x32xbf16, #tpu.memory_space<vmem_shared>>) target_semaphore(%run_scoped3A : memref<!tpu.dma_semaphore, #tpu.memory_space<semaphore_mem>>)
            %dma_wait3A_60 = arith.constant 0 : i32
            %dma_wait3A_61 = tpu.memref_slice %arg5[%mul3A_55, %dma_wait3A_60] : memref<50000x32xbf16, #tpu.memory_space<vmem_shared>> -> memref<625x32xbf16, #tpu.memory_space<vmem_shared>>
            %dma_wait3A_62 = arith.constant 0 : i32
            %dma_wait3A_63 = tpu.memref_slice %arg5[%mul3A_55, %dma_wait3A_62] : memref<50000x32xbf16, #tpu.memory_space<vmem_shared>> -> memref<625x32xbf16, #tpu.memory_space<vmem_shared>>
            tpu.wait_dma2 semaphore(%run_scoped3A : memref<!tpu.dma_semaphore, #tpu.memory_space<semaphore_mem>>) src(%arg8 : memref<625x32xbf16, #tpu.memory_space<vmem>>) dst(%dma_wait3A_63 : memref<625x32xbf16, #tpu.memory_space<vmem_shared>>)
            tpu.yield
          }) : () -> ()
        }
        %scan3A_48 = arith.constant 5 : i32
        %dma_wait3A = tpu.memref_slice %arg2[%mul3A_0, %mul3A_14] : memref<50000x256xbf16, #tpu.memory_space<hbm>> -> memref<3200x32xbf16, #tpu.memory_space<hbm>>
        %dma_wait3A_49 = tpu.memref_slice %arg2[%mul3A_0, %mul3A_14] : memref<50000x256xbf16, #tpu.memory_space<hbm>> -> memref<3200x32xbf16, #tpu.memory_space<hbm>>
        tpu.wait_dma2 semaphore(%arg10 : memref<!tpu.dma_semaphore, #tpu.memory_space<semaphore_mem>>) src(%dma_wait3A_49 : memref<3200x32xbf16, #tpu.memory_space<hbm>>) dst(%arg6 : memref<3200x32xbf16, #tpu.memory_space<vmem>>)
      } else {
      }
      %eq3A = arith.constant 15 : i32
      %eq3A_17 = arith.cmpi eq, %arg1, %eq3A : i32
      %convert_element_type3A_18 = arith.extui %eq3A_17 : i1 to i32
      %cond3A_19 = arith.constant 0 : i32
      %cond3A_20 = arith.cmpi ne, %convert_element_type3A_18, %cond3A_19 : i32
      scf.if %cond3A_20 {
        %dma_start3A = arith.constant 0 : i32
        %dma_start3A_43 = arith.constant 0 : i32
        %dma_start3A_44 = tpu.memref_slice %arg6[%dma_start3A, %dma_start3A_43] : memref<3200x32xbf16, #tpu.memory_space<vmem>> -> memref<2000x32xbf16, #tpu.memory_space<vmem>>
        %dma_start3A_45 = tpu.memref_slice %arg2[%mul3A_0, %mul3A_14] : memref<50000x256xbf16, #tpu.memory_space<hbm>> -> memref<2000x32xbf16, #tpu.memory_space<hbm>>
        %dma_start3A_46 = arith.constant 0 : i32
        %dma_start3A_47 = arith.constant 0 : i32
        %dma_start3A_48 = tpu.memref_slice %arg6[%dma_start3A_46, %dma_start3A_47] : memref<3200x32xbf16, #tpu.memory_space<vmem>> -> memref<2000x32xbf16, #tpu.memory_space<vmem>>
        %dma_start3A_49 = tpu.memref_slice %arg2[%mul3A_0, %mul3A_14] : memref<50000x256xbf16, #tpu.memory_space<hbm>> -> memref<2000x32xbf16, #tpu.memory_space<hbm>>
        tpu.enqueue_dma source(%dma_start3A_49 : memref<2000x32xbf16, #tpu.memory_space<hbm>>) target(%dma_start3A_48 : memref<2000x32xbf16, #tpu.memory_space<vmem>>) target_semaphore(%arg10 : memref<!tpu.dma_semaphore, #tpu.memory_space<semaphore_mem>>)
        %scan3A_50 = arith.constant 0 : i32
        %scan3A_51 = arith.constant 5 : i32
        %scan3A_52 = arith.addi %scan3A_50, %scan3A_51 : i32
        %scan3A_53 = arith.constant 1 : i32
        scf.for %scan3A_67 = %scan3A_50 to %scan3A_52 step %scan3A_53  : i32 {
          %mul3A_68 = arith.constant 5 : i32
          %mul3A_69 = arith.muli %arg1, %mul3A_68 : i32
          %add3A_70 = arith.addi %mul3A_69, %scan3A_67 : i32
          %mul3A_71 = arith.constant 625 : i32
          %mul3A_72 = arith.muli %add3A_70, %mul3A_71 : i32
          "tpu.region"() ({
            %run_scoped3A = tpu.sem_alloc : memref<!tpu.dma_semaphore, #tpu.memory_space<semaphore_mem>>
            %dma_start3A_73 = arith.constant 0 : i32
            %dma_start3A_74 = tpu.memref_slice %arg5[%mul3A_72, %dma_start3A_73] : memref<50000x32xbf16, #tpu.memory_space<vmem_shared>> -> memref<625x32xbf16, #tpu.memory_space<vmem_shared>>
            %dma_start3A_75 = arith.constant 0 : i32
            %dma_start3A_76 = tpu.memref_slice %arg5[%mul3A_72, %dma_start3A_75] : memref<50000x32xbf16, #tpu.memory_space<vmem_shared>> -> memref<625x32xbf16, #tpu.memory_space<vmem_shared>>
            tpu.enqueue_dma source(%arg8 : memref<625x32xbf16, #tpu.memory_space<vmem>>) target(%dma_start3A_76 : memref<625x32xbf16, #tpu.memory_space<vmem_shared>>) target_semaphore(%run_scoped3A : memref<!tpu.dma_semaphore, #tpu.memory_space<semaphore_mem>>)
            %dma_wait3A_77 = arith.constant 0 : i32
            %dma_wait3A_78 = tpu.memref_slice %arg5[%mul3A_72, %dma_wait3A_77] : memref<50000x32xbf16, #tpu.memory_space<vmem_shared>> -> memref<625x32xbf16, #tpu.memory_space<vmem_shared>>
            %dma_wait3A_79 = arith.constant 0 : i32
            %dma_wait3A_80 = tpu.memref_slice %arg5[%mul3A_72, %dma_wait3A_79] : memref<50000x32xbf16, #tpu.memory_space<vmem_shared>> -> memref<625x32xbf16, #tpu.memory_space<vmem_shared>>
            tpu.wait_dma2 semaphore(%run_scoped3A : memref<!tpu.dma_semaphore, #tpu.memory_space<semaphore_mem>>) src(%arg8 : memref<625x32xbf16, #tpu.memory_space<vmem>>) dst(%dma_wait3A_80 : memref<625x32xbf16, #tpu.memory_space<vmem_shared>>)
            tpu.yield
          }) : () -> ()
        }
        %scan3A_54 = arith.constant 5 : i32
        %scan3A_55 = arith.constant 0 : i32
        %scan3A_56 = arith.constant 48 : i32
        %scan3A_57 = arith.addi %scan3A_55, %scan3A_56 : i32
        %scan3A_58 = arith.constant 1 : i32
        scf.for %scan3A_67 = %scan3A_55 to %scan3A_57 step %scan3A_58  : i32 {
          %broadcast_in_dim3A = arith.constant 0.000000e+00 : bf16
          %broadcast_in_dim3A_68 = vector.broadcast %broadcast_in_dim3A : bf16 to vector<32xbf16>
          %add3A_69 = arith.constant 2000 : i32
          %add3A_70 = arith.addi %add3A_69, %scan3A_67 : i32
          %swap3A = arith.index_cast %add3A_70 : i32 to index
          %swap3A_71 = arith.constant 0 : index
          %swap3A_72 = tpu.vector_load %arg6[%swap3A, %swap3A_71] {strides = array<i32>} : memref<3200x32xbf16, #tpu.memory_space<vmem>>, vector<1x32xbf16>,
          %swap3A_73 = vector.shape_cast %swap3A_72 : vector<1x32xbf16> to vector<32xbf16>
          %swap3A_74 = vector.shape_cast %broadcast_in_dim3A_68 : vector<32xbf16> to vector<1x32xbf16>
          tpu.vector_store %arg6[%swap3A, %swap3A_71], %swap3A_74 {strides = array<i32>} : memref<3200x32xbf16, #tpu.memory_space<vmem>>, vector<1x32xbf16>,
        }
        %scan3A_59 = arith.constant 48 : i32
        %dma_wait3A = arith.constant 0 : i32
        %dma_wait3A_60 = arith.constant 0 : i32
        %dma_wait3A_61 = tpu.memref_slice %arg6[%dma_wait3A, %dma_wait3A_60] : memref<3200x32xbf16, #tpu.memory_space<vmem>> -> memref<2000x32xbf16, #tpu.memory_space<vmem>>
        %dma_wait3A_62 = tpu.memref_slice %arg2[%mul3A_0, %mul3A_14] : memref<50000x256xbf16, #tpu.memory_space<hbm>> -> memref<2000x32xbf16, #tpu.memory_space<hbm>>
        %dma_wait3A_63 = arith.constant 0 : i32
        %dma_wait3A_64 = arith.constant 0 : i32
        %dma_wait3A_65 = tpu.memref_slice %arg6[%dma_wait3A_63, %dma_wait3A_64] : memref<3200x32xbf16, #tpu.memory_space<vmem>> -> memref<2000x32xbf16, #tpu.memory_space<vmem>>
        %dma_wait3A_66 = tpu.memref_slice %arg2[%mul3A_0, %mul3A_14] : memref<50000x256xbf16, #tpu.memory_space<hbm>> -> memref<2000x32xbf16, #tpu.memory_space<hbm>>
        tpu.wait_dma2 semaphore(%arg10 : memref<!tpu.dma_semaphore, #tpu.memory_space<semaphore_mem>>) src(%dma_wait3A_66 : memref<2000x32xbf16, #tpu.memory_space<hbm>>) dst(%dma_wait3A_65 : memref<2000x32xbf16, #tpu.memory_space<vmem>>)
      } else {
      }
      %barrier3A = arith.constant 0 : index
      tpu.barrier barrier_id(%barrier3A)
      %lt3A_21 = arith.constant 15 : i32
      %lt3A_22 = arith.cmpi slt, %arg1, %lt3A_21 : i32
      %convert_element_type3A_23 = arith.extui %lt3A_22 : i1 to i32
      %cond3A_24 = arith.constant 0 : i32
      %cond3A_25 = arith.cmpi ne, %convert_element_type3A_23, %cond3A_24 : i32
      scf.if %cond3A_25 {
        %scan3A_43 = arith.constant 0 : i32
        %scan3A_44 = arith.constant 25 : i32
        %scan3A_45 = arith.addi %scan3A_43, %scan3A_44 : i32
        %scan3A_46 = arith.constant 1 : i32
        scf.for %scan3A_53 = %scan3A_43 to %scan3A_45 step %scan3A_46  : i32 {
          %mul3A_54 = arith.constant 128 : i32
          %mul3A_55 = arith.muli %scan3A_53, %mul3A_54 : i32
          %dma_start3A = arith.constant 0 : i32
          %dma_start3A_56 = tpu.memref_slice %arg6[%mul3A_55, %dma_start3A] : memref<3200x32xbf16, #tpu.memory_space<vmem>> -> memref<128x32xbf16, #tpu.memory_space<vmem>>
          %dma_start3A_57 = arith.constant 0 : i32
          %dma_start3A_58 = tpu.memref_slice %arg7[%scan3A_53, %dma_start3A_57] : memref<25x128xi32, #tpu.memory_space<vmem>> -> memref<1x128xi32, #tpu.memory_space<vmem>>
          %dma_start3A_59 = tpu.memref_squeeze %dma_start3A_58 : memref<1x128xi32, #tpu.memory_space<vmem>> -> memref<128xi32, #tpu.memory_space<vmem>>
          %dma_start3A_60 = arith.constant 0 : i32
          %dma_start3A_61 = arith.constant 0 : i32
          %dma_start3A_62 = tpu.memref_slice %arg5[%dma_start3A_60, %dma_start3A_61] : memref<50000x32xbf16, #tpu.memory_space<vmem_shared>> -> memref<50000x32xbf16, #tpu.memory_space<vmem_shared>>
          tpu.enqueue_indirect_dma source(%dma_start3A_56 : memref<128x32xbf16, #tpu.memory_space<vmem>>) target(%dma_start3A_62 : memref<50000x32xbf16, #tpu.memory_space<vmem_shared>>) offsets(%dma_start3A_59 : memref<128xi32, #tpu.memory_space<vmem>>) semaphore(%arg9 : memref<!tpu.dma_semaphore, #tpu.memory_space<semaphore_mem>>) {add = true}
        }
        %scan3A_47 = arith.constant 25 : i32
        %dma_wait3A = arith.constant 0 : i32
        %dma_wait3A_48 = arith.constant 0 : i32
        %dma_wait3A_49 = tpu.memref_slice %arg2[%dma_wait3A, %dma_wait3A_48] : memref<50000x256xbf16, #tpu.memory_space<hbm>> -> memref<3200x32xbf16, #tpu.memory_space<hbm>>
        %dma_wait3A_50 = arith.constant 0 : i32
        %dma_wait3A_51 = arith.constant 0 : i32
        %dma_wait3A_52 = tpu.memref_slice %arg2[%dma_wait3A_50, %dma_wait3A_51] : memref<50000x256xbf16, #tpu.memory_space<hbm>> -> memref<3200x32xbf16, #tpu.memory_space<hbm>>
        tpu.wait_dma2 semaphore(%arg9 : memref<!tpu.dma_semaphore, #tpu.memory_space<semaphore_mem>>) src(%dma_wait3A_52 : memref<3200x32xbf16, #tpu.memory_space<hbm>>) dst(%arg6 : memref<3200x32xbf16, #tpu.memory_space<vmem>>)
      } else {
      }
      %eq3A_26 = arith.constant 15 : i32
      %eq3A_27 = arith.cmpi eq, %arg1, %eq3A_26 : i32
      %convert_element_type3A_28 = arith.extui %eq3A_27 : i1 to i32
      %cond3A_29 = arith.constant 0 : i32
      %cond3A_30 = arith.cmpi ne, %convert_element_type3A_28, %cond3A_29 : i32
      scf.if %cond3A_30 {
        %scan3A_43 = arith.constant 0 : i32
        %scan3A_44 = arith.constant 16 : i32
        %scan3A_45 = arith.addi %scan3A_43, %scan3A_44 : i32
        %scan3A_46 = arith.constant 1 : i32
        scf.for %scan3A_59 = %scan3A_43 to %scan3A_45 step %scan3A_46  : i32 {
          %mul3A_60 = arith.constant 128 : i32
          %mul3A_61 = arith.muli %scan3A_59, %mul3A_60 : i32
          %dma_start3A = arith.constant 0 : i32
          %dma_start3A_62 = tpu.memref_slice %arg6[%mul3A_61, %dma_start3A] : memref<3200x32xbf16, #tpu.memory_space<vmem>> -> memref<128x32xbf16, #tpu.memory_space<vmem>>
          %dma_start3A_63 = arith.constant 0 : i32
          %dma_start3A_64 = tpu.memref_slice %arg7[%scan3A_59, %dma_start3A_63] : memref<25x128xi32, #tpu.memory_space<vmem>> -> memref<1x128xi32, #tpu.memory_space<vmem>>
          %dma_start3A_65 = tpu.memref_squeeze %dma_start3A_64 : memref<1x128xi32, #tpu.memory_space<vmem>> -> memref<128xi32, #tpu.memory_space<vmem>>
          %dma_start3A_66 = arith.constant 0 : i32
          %dma_start3A_67 = arith.constant 0 : i32
          %dma_start3A_68 = tpu.memref_slice %arg5[%dma_start3A_66, %dma_start3A_67] : memref<50000x32xbf16, #tpu.memory_space<vmem_shared>> -> memref<50000x32xbf16, #tpu.memory_space<vmem_shared>>
          tpu.enqueue_indirect_dma source(%dma_start3A_62 : memref<128x32xbf16, #tpu.memory_space<vmem>>) target(%dma_start3A_68 : memref<50000x32xbf16, #tpu.memory_space<vmem_shared>>) offsets(%dma_start3A_65 : memref<128xi32, #tpu.memory_space<vmem>>) semaphore(%arg9 : memref<!tpu.dma_semaphore, #tpu.memory_space<semaphore_mem>>) {add = true}
        }
        %scan3A_47 = arith.constant 16 : i32
        %dma_wait3A = arith.constant 0 : i32
        %dma_wait3A_48 = arith.constant 0 : i32
        %dma_wait3A_49 = tpu.memref_slice %arg6[%dma_wait3A, %dma_wait3A_48] : memref<3200x32xbf16, #tpu.memory_space<vmem>> -> memref<2048x32xbf16, #tpu.memory_space<vmem>>
        %dma_wait3A_50 = arith.constant 0 : i32
        %dma_wait3A_51 = arith.constant 0 : i32
        %dma_wait3A_52 = tpu.memref_slice %arg2[%dma_wait3A_50, %dma_wait3A_51] : memref<50000x256xbf16, #tpu.memory_space<hbm>> -> memref<2048x32xbf16, #tpu.memory_space<hbm>>
        %dma_wait3A_53 = arith.constant 0 : i32
        %dma_wait3A_54 = arith.constant 0 : i32
        %dma_wait3A_55 = tpu.memref_slice %arg6[%dma_wait3A_53, %dma_wait3A_54] : memref<3200x32xbf16, #tpu.memory_space<vmem>> -> memref<2048x32xbf16, #tpu.memory_space<vmem>>
        %dma_wait3A_56 = arith.constant 0 : i32
        %dma_wait3A_57 = arith.constant 0 : i32
        %dma_wait3A_58 = tpu.memref_slice %arg2[%dma_wait3A_56, %dma_wait3A_57] : memref<50000x256xbf16, #tpu.memory_space<hbm>> -> memref<2048x32xbf16, #tpu.memory_space<hbm>>
        tpu.wait_dma2 semaphore(%arg9 : memref<!tpu.dma_semaphore, #tpu.memory_space<semaphore_mem>>) src(%dma_wait3A_58 : memref<2048x32xbf16, #tpu.memory_space<hbm>>) dst(%dma_wait3A_55 : memref<2048x32xbf16, #tpu.memory_space<vmem>>)
      } else {
      }
      %barrier3A_31 = arith.constant 0 : index
      tpu.barrier barrier_id(%barrier3A_31)
      %lt3A_32 = arith.constant 15 : i32
      %lt3A_33 = arith.cmpi slt, %arg1, %lt3A_32 : i32
      %convert_element_type3A_34 = arith.extui %lt3A_33 : i1 to i32
      %cond3A_35 = arith.constant 0 : i32
      %cond3A_36 = arith.cmpi ne, %convert_element_type3A_34, %cond3A_35 : i32
      scf.if %cond3A_36 {
        %scan3A_43 = arith.constant 0 : i32
        %scan3A_44 = arith.constant 25 : i32
        %scan3A_45 = arith.addi %scan3A_43, %scan3A_44 : i32
        %scan3A_46 = arith.constant 1 : i32
        scf.for %scan3A_53 = %scan3A_43 to %scan3A_45 step %scan3A_46  : i32 {
          %mul3A_54 = arith.constant 128 : i32
          %mul3A_55 = arith.muli %scan3A_53, %mul3A_54 : i32
          %dma_start3A = arith.constant 0 : i32
          %dma_start3A_56 = tpu.memref_slice %arg6[%mul3A_55, %dma_start3A] : memref<3200x32xbf16, #tpu.memory_space<vmem>> -> memref<128x32xbf16, #tpu.memory_space<vmem>>
          %dma_start3A_57 = arith.constant 0 : i32
          %dma_start3A_58 = tpu.memref_slice %arg7[%scan3A_53, %dma_start3A_57] : memref<25x128xi32, #tpu.memory_space<vmem>> -> memref<1x128xi32, #tpu.memory_space<vmem>>
          %dma_start3A_59 = tpu.memref_squeeze %dma_start3A_58 : memref<1x128xi32, #tpu.memory_space<vmem>> -> memref<128xi32, #tpu.memory_space<vmem>>
          %dma_start3A_60 = arith.constant 0 : i32
          %dma_start3A_61 = arith.constant 0 : i32
          %dma_start3A_62 = tpu.memref_slice %arg5[%dma_start3A_60, %dma_start3A_61] : memref<50000x32xbf16, #tpu.memory_space<vmem_shared>> -> memref<50000x32xbf16, #tpu.memory_space<vmem_shared>>
          tpu.enqueue_indirect_dma source(%dma_start3A_62 : memref<50000x32xbf16, #tpu.memory_space<vmem_shared>>) target(%dma_start3A_56 : memref<128x32xbf16, #tpu.memory_space<vmem>>) offsets(%dma_start3A_59 : memref<128xi32, #tpu.memory_space<vmem>>) semaphore(%arg9 : memref<!tpu.dma_semaphore, #tpu.memory_space<semaphore_mem>>)
        }
        %scan3A_47 = arith.constant 25 : i32
        %dma_wait3A = arith.constant 0 : i32
        %dma_wait3A_48 = arith.constant 0 : i32
        %dma_wait3A_49 = tpu.memref_slice %arg2[%dma_wait3A, %dma_wait3A_48] : memref<50000x256xbf16, #tpu.memory_space<hbm>> -> memref<3200x32xbf16, #tpu.memory_space<hbm>>
        %dma_wait3A_50 = arith.constant 0 : i32
        %dma_wait3A_51 = arith.constant 0 : i32
        %dma_wait3A_52 = tpu.memref_slice %arg2[%dma_wait3A_50, %dma_wait3A_51] : memref<50000x256xbf16, #tpu.memory_space<hbm>> -> memref<3200x32xbf16, #tpu.memory_space<hbm>>
        tpu.wait_dma2 semaphore(%arg9 : memref<!tpu.dma_semaphore, #tpu.memory_space<semaphore_mem>>) src(%dma_wait3A_52 : memref<3200x32xbf16, #tpu.memory_space<hbm>>) dst(%arg6 : memref<3200x32xbf16, #tpu.memory_space<vmem>>)
        "tpu.region"() ({
          %run_scoped3A = tpu.sem_alloc : memref<!tpu.dma_semaphore, #tpu.memory_space<semaphore_mem>>
          %dma_start3A = tpu.memref_slice %arg4[%mul3A_0, %mul3A_14] : memref<50000x256xbf16, #tpu.memory_space<hbm>> -> memref<3200x32xbf16, #tpu.memory_space<hbm>>
          %dma_start3A_53 = tpu.memref_slice %arg4[%mul3A_0, %mul3A_14] : memref<50000x256xbf16, #tpu.memory_space<hbm>> -> memref<3200x32xbf16, #tpu.memory_space<hbm>>
          tpu.enqueue_dma source(%arg6 : memref<3200x32xbf16, #tpu.memory_space<vmem>>) target(%dma_start3A_53 : memref<3200x32xbf16, #tpu.memory_space<hbm>>) target_semaphore(%run_scoped3A : memref<!tpu.dma_semaphore, #tpu.memory_space<semaphore_mem>>)
          %dma_wait3A_54 = tpu.memref_slice %arg4[%mul3A_0, %mul3A_14] : memref<50000x256xbf16, #tpu.memory_space<hbm>> -> memref<3200x32xbf16, #tpu.memory_space<hbm>>
          %dma_wait3A_55 = tpu.memref_slice %arg4[%mul3A_0, %mul3A_14] : memref<50000x256xbf16, #tpu.memory_space<hbm>> -> memref<3200x32xbf16, #tpu.memory_space<hbm>>
          tpu.wait_dma2 semaphore(%run_scoped3A : memref<!tpu.dma_semaphore, #tpu.memory_space<semaphore_mem>>) src(%arg6 : memref<3200x32xbf16, #tpu.memory_space<vmem>>) dst(%dma_wait3A_55 : memref<3200x32xbf16, #tpu.memory_space<hbm>>)
          tpu.yield
        }) : () -> ()
      } else {
      }
      %eq3A_37 = arith.constant 15 : i32
      %eq3A_38 = arith.cmpi eq, %arg1, %eq3A_37 : i32
      %convert_element_type3A_39 = arith.extui %eq3A_38 : i1 to i32
      %cond3A_40 = arith.constant 0 : i32
      %cond3A_41 = arith.cmpi ne, %convert_element_type3A_39, %cond3A_40 : i32
      scf.if %cond3A_41 {
        %scan3A_43 = arith.constant 0 : i32
        %scan3A_44 = arith.constant 16 : i32
        %scan3A_45 = arith.addi %scan3A_43, %scan3A_44 : i32
        %scan3A_46 = arith.constant 1 : i32
        scf.for %scan3A_59 = %scan3A_43 to %scan3A_45 step %scan3A_46  : i32 {
          %mul3A_60 = arith.constant 128 : i32
          %mul3A_61 = arith.muli %scan3A_59, %mul3A_60 : i32
          %dma_start3A = arith.constant 0 : i32
          %dma_start3A_62 = tpu.memref_slice %arg6[%mul3A_61, %dma_start3A] : memref<3200x32xbf16, #tpu.memory_space<vmem>> -> memref<128x32xbf16, #tpu.memory_space<vmem>>
          %dma_start3A_63 = arith.constant 0 : i32
          %dma_start3A_64 = tpu.memref_slice %arg7[%scan3A_59, %dma_start3A_63] : memref<25x128xi32, #tpu.memory_space<vmem>> -> memref<1x128xi32, #tpu.memory_space<vmem>>
          %dma_start3A_65 = tpu.memref_squeeze %dma_start3A_64 : memref<1x128xi32, #tpu.memory_space<vmem>> -> memref<128xi32, #tpu.memory_space<vmem>>
          %dma_start3A_66 = arith.constant 0 : i32
          %dma_start3A_67 = arith.constant 0 : i32
          %dma_start3A_68 = tpu.memref_slice %arg5[%dma_start3A_66, %dma_start3A_67] : memref<50000x32xbf16, #tpu.memory_space<vmem_shared>> -> memref<50000x32xbf16, #tpu.memory_space<vmem_shared>>
          tpu.enqueue_indirect_dma source(%dma_start3A_68 : memref<50000x32xbf16, #tpu.memory_space<vmem_shared>>) target(%dma_start3A_62 : memref<128x32xbf16, #tpu.memory_space<vmem>>) offsets(%dma_start3A_65 : memref<128xi32, #tpu.memory_space<vmem>>) semaphore(%arg9 : memref<!tpu.dma_semaphore, #tpu.memory_space<semaphore_mem>>)
        }
        %scan3A_47 = arith.constant 16 : i32
        %dma_wait3A = arith.constant 0 : i32
        %dma_wait3A_48 = arith.constant 0 : i32
        %dma_wait3A_49 = tpu.memref_slice %arg6[%dma_wait3A, %dma_wait3A_48] : memref<3200x32xbf16, #tpu.memory_space<vmem>> -> memref<2048x32xbf16, #tpu.memory_space<vmem>>
        %dma_wait3A_50 = arith.constant 0 : i32
        %dma_wait3A_51 = arith.constant 0 : i32
        %dma_wait3A_52 = tpu.memref_slice %arg2[%dma_wait3A_50, %dma_wait3A_51] : memref<50000x256xbf16, #tpu.memory_space<hbm>> -> memref<2048x32xbf16, #tpu.memory_space<hbm>>
        %dma_wait3A_53 = arith.constant 0 : i32
        %dma_wait3A_54 = arith.constant 0 : i32
        %dma_wait3A_55 = tpu.memref_slice %arg6[%dma_wait3A_53, %dma_wait3A_54] : memref<3200x32xbf16, #tpu.memory_space<vmem>> -> memref<2048x32xbf16, #tpu.memory_space<vmem>>
        %dma_wait3A_56 = arith.constant 0 : i32
        %dma_wait3A_57 = arith.constant 0 : i32
        %dma_wait3A_58 = tpu.memref_slice %arg2[%dma_wait3A_56, %dma_wait3A_57] : memref<50000x256xbf16, #tpu.memory_space<hbm>> -> memref<2048x32xbf16, #tpu.memory_space<hbm>>
        tpu.wait_dma2 semaphore(%arg9 : memref<!tpu.dma_semaphore, #tpu.memory_space<semaphore_mem>>) src(%dma_wait3A_58 : memref<2048x32xbf16, #tpu.memory_space<hbm>>) dst(%dma_wait3A_55 : memref<2048x32xbf16, #tpu.memory_space<vmem>>)
        "tpu.region"() ({
          %run_scoped3A = tpu.sem_alloc : memref<!tpu.dma_semaphore, #tpu.memory_space<semaphore_mem>>
          %dma_start3A = arith.constant 0 : i32
          %dma_start3A_59 = arith.constant 0 : i32
          %dma_start3A_60 = tpu.memref_slice %arg6[%dma_start3A, %dma_start3A_59] : memref<3200x32xbf16, #tpu.memory_space<vmem>> -> memref<2000x32xbf16, #tpu.memory_space<vmem>>
          %dma_start3A_61 = tpu.memref_slice %arg4[%mul3A_0, %mul3A_14] : memref<50000x256xbf16, #tpu.memory_space<hbm>> -> memref<2000x32xbf16, #tpu.memory_space<hbm>>
          %dma_start3A_62 = tpu.memref_slice %arg4[%mul3A_0, %mul3A_14] : memref<50000x256xbf16, #tpu.memory_space<hbm>> -> memref<2000x32xbf16, #tpu.memory_space<hbm>>
          %dma_start3A_63 = arith.constant 0 : i32
          %dma_start3A_64 = arith.constant 0 : i32
          %dma_start3A_65 = tpu.memref_slice %arg6[%dma_start3A_63, %dma_start3A_64] : memref<3200x32xbf16, #tpu.memory_space<vmem>> -> memref<2000x32xbf16, #tpu.memory_space<vmem>>
          tpu.enqueue_dma source(%dma_start3A_65 : memref<2000x32xbf16, #tpu.memory_space<vmem>>) target(%dma_start3A_62 : memref<2000x32xbf16, #tpu.memory_space<hbm>>) target_semaphore(%run_scoped3A : memref<!tpu.dma_semaphore, #tpu.memory_space<semaphore_mem>>)
          %dma_wait3A_66 = arith.constant 0 : i32
          %dma_wait3A_67 = arith.constant 0 : i32
          %dma_wait3A_68 = tpu.memref_slice %arg6[%dma_wait3A_66, %dma_wait3A_67] : memref<3200x32xbf16, #tpu.memory_space<vmem>> -> memref<2000x32xbf16, #tpu.memory_space<vmem>>
          %dma_wait3A_69 = tpu.memref_slice %arg4[%mul3A_0, %mul3A_14] : memref<50000x256xbf16, #tpu.memory_space<hbm>> -> memref<2000x32xbf16, #tpu.memory_space<hbm>>
          %dma_wait3A_70 = tpu.memref_slice %arg4[%mul3A_0, %mul3A_14] : memref<50000x256xbf16, #tpu.memory_space<hbm>> -> memref<2000x32xbf16, #tpu.memory_space<hbm>>
          %dma_wait3A_71 = arith.constant 0 : i32
          %dma_wait3A_72 = arith.constant 0 : i32
          %dma_wait3A_73 = tpu.memref_slice %arg6[%dma_wait3A_71, %dma_wait3A_72] : memref<3200x32xbf16, #tpu.memory_space<vmem>> -> memref<2000x32xbf16, #tpu.memory_space<vmem>>
          tpu.wait_dma2 semaphore(%run_scoped3A : memref<!tpu.dma_semaphore, #tpu.memory_space<semaphore_mem>>) src(%dma_wait3A_73 : memref<2000x32xbf16, #tpu.memory_space<vmem>>) dst(%dma_wait3A_70 : memref<2000x32xbf16, #tpu.memory_space<hbm>>)
          tpu.yield
        }) : () -> ()
      } else {
      }
      %barrier3A_42 = arith.constant 0 : index
      tpu.barrier barrier_id(%barrier3A_42)
    }
    %scan3A_9 = arith.constant 4 : i32
    return
  }
}

module attributes {stable_mosaic.version = 14 : i64} {
  func.func @_mlp1_body(%arg0: i32, %arg1: memref<1x1xf32, #tpu.memory_space<vmem>>, %arg2: memref<5000x256xf32, #tpu.memory_space<vmem>>, %arg3: memref<5000x256xbf16, #tpu.memory_space<vmem>>, %arg4: memref<256x256xf32, #tpu.memory_space<vmem>>, %arg5: memref<5000x256xbf16, #tpu.memory_space<vmem>>, %arg6: memref<1x256xf32, #tpu.memory_space<vmem>>, %arg7: memref<1x256xf32, #tpu.memory_space<vmem>>) attributes {dimension_semantics = [#tpu.dimension_semantics<arbitrary>], iteration_bounds = array<i64: 10>, scalar_prefetch = 0 : i64, scratch_operands = 0 : i64, tpu.core_type = #tpu.core_type<tc>, window_params = [{pipeline_mode = #tpu.pipeline_mode<synchronous>, transform_indices = @transform_0, window_bounds = array<i64: 1, 1>}, {transform_indices = @transform_1, window_bounds = array<i64: 5000, 256>}, {transform_indices = @transform_2, window_bounds = array<i64: 5000, 256>}, {pipeline_mode = #tpu.pipeline_mode<synchronous>, transform_indices = @transform_3, window_bounds = array<i64: 256, 256>}, {transform_indices = @transform_4, window_bounds = array<i64: 5000, 256>}, {pipeline_mode = #tpu.pipeline_mode<synchronous>, transform_indices = @transform_5, window_bounds = array<i64: 1, 256>}, {pipeline_mode = #tpu.pipeline_mode<synchronous>, transform_indices = @transform_6, window_bounds = array<i64: 1, 256>}]} {
    %get3A = arith.constant 0 : index
    %get3A_0 = arith.constant 0 : index
    %get3A_1 = vector.load %arg1[%get3A, %get3A_0] : memref<1x1xf32, #tpu.memory_space<vmem>>, vector<1x1xf32>
    %get3A_2 = vector.extract %get3A_1[0, 0] : f32 from vector<1x1xf32>
    %add3A = arith.constant 1.000000e+00 : f32
    %add3A_3 = arith.addf %add3A, %get3A_2 : f32
    %get3A_4 = arith.constant 0 : index
    %get3A_5 = arith.constant 0 : index
    %get3A_6 = vector.load %arg2[%get3A_4, %get3A_5] : memref<5000x256xf32, #tpu.memory_space<vmem>>, vector<5000x256xf32>
    %mul3A = vector.broadcast %add3A_3 : f32 to vector<5000x256xf32>
    %mul3A_7 = arith.mulf %get3A_6, %mul3A : vector<5000x256xf32>
    %get3A_8 = arith.constant 0 : index
    %get3A_9 = arith.constant 0 : index
    %get3A_10 = vector.load %arg3[%get3A_8, %get3A_9] : memref<5000x256xbf16, #tpu.memory_space<vmem>>, vector<5000x256xbf16>
    %convert_element_type3A = arith.extf %get3A_10 : vector<5000x256xbf16> to vector<5000x256xf32>
    %add3A_11 = arith.addf %mul3A_7, %convert_element_type3A : vector<5000x256xf32>
    %get3A_12 = arith.constant 0 : index
    %get3A_13 = arith.constant 0 : index
    %get3A_14 = vector.load %arg4[%get3A_12, %get3A_13] : memref<256x256xf32, #tpu.memory_space<vmem>>, vector<256x256xf32>
    %dot_general3A = arith.constant dense<0.000000e+00> : vector<5000x256xf32>
    %dot_general3A_15 = tpu.matmul %add3A_11, %get3A_14, %dot_general3A {dimension_numbers = #tpu.dot_dimension_numbers<[1], [1], [0], [0], [0, 0, 1, 0], [], []>, transpose_lhs_hint = false} : vector<5000x256xf32>, vector<256x256xf32>, vector<5000x256xf32> -> vector<5000x256xf32>
    %convert_element_type3A_16 = arith.truncf %dot_general3A_15 : vector<5000x256xf32> to vector<5000x256xbf16>
    %swap3A = arith.constant 0 : index
    %swap3A_17 = arith.constant 0 : index
    %swap3A_18 = vector.load %arg5[%swap3A, %swap3A_17] : memref<5000x256xbf16, #tpu.memory_space<vmem>>, vector<5000x256xbf16>
    tpu.vector_store %arg5[%swap3A, %swap3A_17], %convert_element_type3A_16 {strides = array<i32>} : memref<5000x256xbf16, #tpu.memory_space<vmem>>, vector<5000x256xbf16>,
    %reduce_sum3A = arith.constant dense<0.000000e+00> : vector<256xf32>
    %reduce_sum3A_19 = vector.multi_reduction <add>, %dot_general3A_15, %reduce_sum3A [0] : vector<5000x256xf32> to vector<256xf32>
    %broadcast_in_dim3A = vector.shape_cast %reduce_sum3A_19 : vector<256xf32> to vector<1x256xf32>
    %mul3A_20 = arith.mulf %dot_general3A_15, %dot_general3A_15 : vector<5000x256xf32>
    %reduce_sum3A_21 = arith.constant dense<0.000000e+00> : vector<256xf32>
    %reduce_sum3A_22 = vector.multi_reduction <add>, %mul3A_20, %reduce_sum3A_21 [0] : vector<5000x256xf32> to vector<256xf32>
    %broadcast_in_dim3A_23 = vector.shape_cast %reduce_sum3A_22 : vector<256xf32> to vector<1x256xf32>
    %eq3A = arith.constant 0 : i32
    %eq3A_24 = arith.cmpi eq, %arg0, %eq3A : i32
    %convert_element_type3A_25 = arith.extui %eq3A_24 : i1 to i32
    %cond3A = arith.constant 0 : i32
    %cond3A_26 = arith.cmpi ne, %convert_element_type3A_25, %cond3A : i32
    scf.if %cond3A_26 {
      %swap3A_31 = arith.constant 0 : index
      %swap3A_32 = arith.constant 0 : index
      %swap3A_33 = vector.load %arg6[%swap3A_31, %swap3A_32] : memref<1x256xf32, #tpu.memory_space<vmem>>, vector<1x256xf32>
      tpu.vector_store %arg6[%swap3A_31, %swap3A_32], %broadcast_in_dim3A {strides = array<i32>} : memref<1x256xf32, #tpu.memory_space<vmem>>, vector<1x256xf32>,
      %swap3A_34 = arith.constant 0 : index
      %swap3A_35 = arith.constant 0 : index
      %swap3A_36 = vector.load %arg7[%swap3A_34, %swap3A_35] : memref<1x256xf32, #tpu.memory_space<vmem>>, vector<1x256xf32>
      tpu.vector_store %arg7[%swap3A_34, %swap3A_35], %broadcast_in_dim3A_23 {strides = array<i32>} : memref<1x256xf32, #tpu.memory_space<vmem>>, vector<1x256xf32>,
    } else {
    }
    %ne3A = arith.constant 0 : i32
    %ne3A_27 = arith.cmpi ne, %arg0, %ne3A : i32
    %convert_element_type3A_28 = arith.extui %ne3A_27 : i1 to i32
    %cond3A_29 = arith.constant 0 : i32
    %cond3A_30 = arith.cmpi ne, %convert_element_type3A_28, %cond3A_29 : i32
    scf.if %cond3A_30 {
      %get3A_31 = arith.constant 0 : index
      %get3A_32 = arith.constant 0 : index
      %get3A_33 = vector.load %arg6[%get3A_31, %get3A_32] : memref<1x256xf32, #tpu.memory_space<vmem>>, vector<1x256xf32>
      %add3A_34 = arith.addf %get3A_33, %broadcast_in_dim3A : vector<1x256xf32>
      %swap3A_35 = arith.constant 0 : index
      %swap3A_36 = arith.constant 0 : index
      %swap3A_37 = vector.load %arg6[%swap3A_35, %swap3A_36] : memref<1x256xf32, #tpu.memory_space<vmem>>, vector<1x256xf32>
      tpu.vector_store %arg6[%swap3A_35, %swap3A_36], %add3A_34 {strides = array<i32>} : memref<1x256xf32, #tpu.memory_space<vmem>>, vector<1x256xf32>,
      %get3A_38 = arith.constant 0 : index
      %get3A_39 = arith.constant 0 : index
      %get3A_40 = vector.load %arg7[%get3A_38, %get3A_39] : memref<1x256xf32, #tpu.memory_space<vmem>>, vector<1x256xf32>
      %add3A_41 = arith.addf %get3A_40, %broadcast_in_dim3A_23 : vector<1x256xf32>
      %swap3A_42 = arith.constant 0 : index
      %swap3A_43 = arith.constant 0 : index
      %swap3A_44 = vector.load %arg7[%swap3A_42, %swap3A_43] : memref<1x256xf32, #tpu.memory_space<vmem>>, vector<1x256xf32>
      tpu.vector_store %arg7[%swap3A_42, %swap3A_43], %add3A_41 {strides = array<i32>} : memref<1x256xf32, #tpu.memory_space<vmem>>, vector<1x256xf32>,
    } else {
    }
    return
  }
  func.func @transform_0(%arg0: i32) -> (i32, i32) {
    %c0_i32 = arith.constant 0 : i32
    %c0_i32_0 = arith.constant 0 : i32
    %c0_i32_1 = arith.constant 0 : i32
    return %c0_i32, %c0_i32_0 : i32, i32
  }
  func.func @transform_1(%arg0: i32) -> (i32, i32) {
    %c0_i32 = arith.constant 0 : i32
    %c0_i32_0 = arith.constant 0 : i32
    return %arg0, %c0_i32 : i32, i32
  }
  func.func @transform_2(%arg0: i32) -> (i32, i32) {
    %c0_i32 = arith.constant 0 : i32
    %c0_i32_0 = arith.constant 0 : i32
    return %arg0, %c0_i32 : i32, i32
  }
  func.func @transform_3(%arg0: i32) -> (i32, i32) {
    %c0_i32 = arith.constant 0 : i32
    %c0_i32_0 = arith.constant 0 : i32
    %c0_i32_1 = arith.constant 0 : i32
    return %c0_i32, %c0_i32_0 : i32, i32
  }
  func.func @transform_4(%arg0: i32) -> (i32, i32) {
    %c0_i32 = arith.constant 0 : i32
    %c0_i32_0 = arith.constant 0 : i32
    return %arg0, %c0_i32 : i32, i32
  }
  func.func @transform_5(%arg0: i32) -> (i32, i32) {
    %c0_i32 = arith.constant 0 : i32
    %c0_i32_0 = arith.constant 0 : i32
    %c0_i32_1 = arith.constant 0 : i32
    return %c0_i32, %c0_i32_0 : i32, i32
  }
  func.func @transform_6(%arg0: i32) -> (i32, i32) {
    %c0_i32 = arith.constant 0 : i32
    %c0_i32_0 = arith.constant 0 : i32
    %c0_i32_1 = arith.constant 0 : i32
    return %c0_i32, %c0_i32_0 : i32, i32
  }
}

module attributes {stable_mosaic.version = 14 : i64} {
  func.func @_mlp2_body(%arg0: i32, %arg1: memref<5000x256xbf16, #tpu.memory_space<vmem>>, %arg2: memref<1x256xf32, #tpu.memory_space<vmem>>, %arg3: memref<1x256xf32, #tpu.memory_space<vmem>>, %arg4: memref<1x256xf32, #tpu.memory_space<vmem>>, %arg5: memref<1x256xf32, #tpu.memory_space<vmem>>, %arg6: memref<256x256xf32, #tpu.memory_space<vmem>>, %arg7: memref<5000x256xf32, #tpu.memory_space<vmem>>) attributes {dimension_semantics = [#tpu.dimension_semantics<arbitrary>], iteration_bounds = array<i64: 10>, scalar_prefetch = 0 : i64, scratch_operands = 0 : i64, tpu.core_type = #tpu.core_type<tc>, window_params = [{transform_indices = @transform_0, window_bounds = array<i64: 5000, 256>}, {pipeline_mode = #tpu.pipeline_mode<synchronous>, transform_indices = @transform_1, window_bounds = array<i64: 1, 256>}, {pipeline_mode = #tpu.pipeline_mode<synchronous>, transform_indices = @transform_2, window_bounds = array<i64: 1, 256>}, {pipeline_mode = #tpu.pipeline_mode<synchronous>, transform_indices = @transform_3, window_bounds = array<i64: 1, 256>}, {pipeline_mode = #tpu.pipeline_mode<synchronous>, transform_indices = @transform_4, window_bounds = array<i64: 1, 256>}, {pipeline_mode = #tpu.pipeline_mode<synchronous>, transform_indices = @transform_5, window_bounds = array<i64: 256, 256>}, {transform_indices = @transform_6, window_bounds = array<i64: 5000, 256>}]} {
    %get3A = arith.constant 0 : index
    %get3A_0 = arith.constant 0 : index
    %get3A_1 = vector.load %arg2[%get3A, %get3A_0] : memref<1x256xf32, #tpu.memory_space<vmem>>, vector<1x256xf32>
    %mul3A = arith.constant 2.000000e-05 : f32
    %mul3A_2 = vector.broadcast %mul3A : f32 to vector<1x256xf32>
    %mul3A_3 = arith.mulf %get3A_1, %mul3A_2 : vector<1x256xf32>
    %get3A_4 = arith.constant 0 : index
    %get3A_5 = arith.constant 0 : index
    %get3A_6 = vector.load %arg3[%get3A_4, %get3A_5] : memref<1x256xf32, #tpu.memory_space<vmem>>, vector<1x256xf32>
    %mul3A_7 = arith.constant 2.000000e-05 : f32
    %mul3A_8 = vector.broadcast %mul3A_7 : f32 to vector<1x256xf32>
    %mul3A_9 = arith.mulf %get3A_6, %mul3A_8 : vector<1x256xf32>
    %mul3A_10 = arith.mulf %mul3A_3, %mul3A_3 : vector<1x256xf32>
    %sub3A = arith.subf %mul3A_9, %mul3A_10 : vector<1x256xf32>
    %get3A_11 = arith.constant 0 : index
    %get3A_12 = arith.constant 0 : index
    %get3A_13 = vector.load %arg4[%get3A_11, %get3A_12] : memref<1x256xf32, #tpu.memory_space<vmem>>, vector<1x256xf32>
    %add3A = arith.constant 9.99999974E-6 : f32
    %add3A_14 = vector.broadcast %add3A : f32 to vector<1x256xf32>
    %add3A_15 = arith.addf %sub3A, %add3A_14 : vector<1x256xf32>
    %rsqrt3A = math.rsqrt %add3A_15 : vector<1x256xf32>
    %mul3A_16 = arith.mulf %get3A_13, %rsqrt3A : vector<1x256xf32>
    %get3A_17 = arith.constant 0 : index
    %get3A_18 = arith.constant 0 : index
    %get3A_19 = vector.load %arg5[%get3A_17, %get3A_18] : memref<1x256xf32, #tpu.memory_space<vmem>>, vector<1x256xf32>
    %mul3A_20 = arith.mulf %mul3A_3, %mul3A_16 : vector<1x256xf32>
    %sub3A_21 = arith.subf %get3A_19, %mul3A_20 : vector<1x256xf32>
    %get3A_22 = arith.constant 0 : index
    %get3A_23 = arith.constant 0 : index
    %get3A_24 = vector.load %arg1[%get3A_22, %get3A_23] : memref<5000x256xbf16, #tpu.memory_space<vmem>>, vector<5000x256xbf16>
    %convert_element_type3A = arith.extf %get3A_24 : vector<5000x256xbf16> to vector<5000x256xf32>
    %mul3A_25 = vector.broadcast %mul3A_16 : vector<1x256xf32> to vector<5000x256xf32>
    %mul3A_26 = arith.mulf %convert_element_type3A, %mul3A_25 : vector<5000x256xf32>
    %add3A_27 = vector.broadcast %sub3A_21 : vector<1x256xf32> to vector<5000x256xf32>
    %add3A_28 = arith.addf %mul3A_26, %add3A_27 : vector<5000x256xf32>
    %max3A = arith.constant 0.000000e+00 : f32
    %max3A_29 = vector.broadcast %max3A : f32 to vector<5000x256xf32>
    %max3A_30 = arith.maximumf %add3A_28, %max3A_29 : vector<5000x256xf32>
    %get3A_31 = arith.constant 0 : index
    %get3A_32 = arith.constant 0 : index
    %get3A_33 = vector.load %arg6[%get3A_31, %get3A_32] : memref<256x256xf32, #tpu.memory_space<vmem>>, vector<256x256xf32>
    %dot_general3A = arith.constant dense<0.000000e+00> : vector<5000x256xf32>
    %dot_general3A_34 = tpu.matmul %max3A_30, %get3A_33, %dot_general3A {dimension_numbers = #tpu.dot_dimension_numbers<[1], [1], [0], [0], [0, 0, 1, 0], [], []>, transpose_lhs_hint = false} : vector<5000x256xf32>, vector<256x256xf32>, vector<5000x256xf32> -> vector<5000x256xf32>
    %swap3A = arith.constant 0 : index
    %swap3A_35 = arith.constant 0 : index
    %swap3A_36 = vector.load %arg7[%swap3A, %swap3A_35] : memref<5000x256xf32, #tpu.memory_space<vmem>>, vector<5000x256xf32>
    tpu.vector_store %arg7[%swap3A, %swap3A_35], %dot_general3A_34 {strides = array<i32>} : memref<5000x256xf32, #tpu.memory_space<vmem>>, vector<5000x256xf32>,
    return
  }
  func.func @transform_0(%arg0: i32) -> (i32, i32) {
    %c0_i32 = arith.constant 0 : i32
    %c0_i32_0 = arith.constant 0 : i32
    return %arg0, %c0_i32 : i32, i32
  }
  func.func @transform_1(%arg0: i32) -> (i32, i32) {
    %c0_i32 = arith.constant 0 : i32
    %c0_i32_0 = arith.constant 0 : i32
    %c0_i32_1 = arith.constant 0 : i32
    return %c0_i32, %c0_i32_0 : i32, i32
  }
  func.func @transform_2(%arg0: i32) -> (i32, i32) {
    %c0_i32 = arith.constant 0 : i32
    %c0_i32_0 = arith.constant 0 : i32
    %c0_i32_1 = arith.constant 0 : i32
    return %c0_i32, %c0_i32_0 : i32, i32
  }
  func.func @transform_3(%arg0: i32) -> (i32, i32) {
    %c0_i32 = arith.constant 0 : i32
    %c0_i32_0 = arith.constant 0 : i32
    %c0_i32_1 = arith.constant 0 : i32
    return %c0_i32, %c0_i32_0 : i32, i32
  }
  func.func @transform_4(%arg0: i32) -> (i32, i32) {
    %c0_i32 = arith.constant 0 : i32
    %c0_i32_0 = arith.constant 0 : i32
    %c0_i32_1 = arith.constant 0 : i32
    return %c0_i32, %c0_i32_0 : i32, i32
  }
  func.func @transform_5(%arg0: i32) -> (i32, i32) {
    %c0_i32 = arith.constant 0 : i32
    %c0_i32_0 = arith.constant 0 : i32
    %c0_i32_1 = arith.constant 0 : i32
    return %c0_i32, %c0_i32_0 : i32, i32
  }
  func.func @transform_6(%arg0: i32) -> (i32, i32) {
    %c0_i32 = arith.constant 0 : i32
    %c0_i32_0 = arith.constant 0 : i32
    return %arg0, %c0_i32 : i32, i32
  }
}

</mosaic_0001>

<sc_bundles>
// kernel: kernel.5.cloned.1.call-start
scs
__scs_entry_jumppad:
0x0: {  	(pc) =	sbr.rel $0x88, $3  }
0x1: {  	(tag) =	ssettag $0x0;
	lr =	simm.s32 $0x1  }
0x2: {  	[smem:$0x3F9A] =	sst lr;
	_ =	strace $0xD0000000  }
0x3: {  	_ = 	snop  }
0x4: {  	_ = 	snop  }
0x5: {  	_ = 	snop  }
0x6: {  	_ = 	snop  }
0x7: {  	_ = 	snop  }
__scs_overlays_trampoline_lowered:
0x8: {  	[smem:$0x3FA9] =	sst s0  }
0x9: {  	[smem:$0x3FAA] =	sst s1  }
0xa: {  	[smem:$0x3FAB] =	sst s2  }
0xb: {  	[smem:$0x3FAC] =	sst s3  }
0xc: {  	[smem:$0x3FAD] =	sst s4  }
0xd: {  	[smem:$0x3FAE] =	sst s5  }
0xe: {  	[smem:$0x3FAF] =	sst s6  }
0xf: {  	[smem:$0x3FB0] =	sst s7  }
0x10: {  	[smem:$0x3FB1] =	sst s8  }
0x11: {  	[smem:$0x3FB2] =	sst s9;
	s0 =	simm.s32 @!p0 $0x0  }
0x12: {  	s1 =	sld [smem:$0x3F98];
	s0 =	simm.s32 @p0 $0x1  }
0x13: {  	[smem:$0x3FB3] =	sst s0;
	s0 =	simm.s32 @!p1 $0x0  }
0x14: {  	s2 =	sld [smem:$0x3F97];
	s0 =	simm.s32 @p1 $0x1  }
0x15: {  	[smem:$0x3FB4] =	sst s0;
	s0 =	simm.s32 @!p2 $0x0  }
0x16: {  	s3 =	sld [smem:$0x3FDB];
	s0 =	simm.s32 @p2 $0x1  }
0x17: {  	s4 =	simm.s32 $0x1BF5;
	[smem:$0x3FB6] =	sst s0  }
0x18: {  	s0 =	sld [smem:$0x3F99];
	_ =	swait.ge [sflag:s4], $0x0  }
0x19: {  	s7 =	sld [smem:$0x3F9A]  }
0x1a: {  	s8 =	sadd.s32 $0xFFFFE003, lr  }
0x1b: {  	s9 =	sadd.s32 $0xFFFFFEF7, lr;
	s5 =	simm.s32 $0xFFFFFFFF;
	p2 =	slt.u32 s8, $0xFFFFF086  }
0x1c: {  	p1 =	slt.u32 s9, $0xF7A;
	s5 =	simm.s32 @!p2 $0x0  }
0x1d: {  	s5 =	simm.s32 @p1 $0x1;
	p0 =	seq.s32 s7, s2  }
0x1e: {  	s7 =	smul.u32 @!p0 $0xF7A, s2;
	p2 =	seq.s32 @!p0 s5, $0x0  }
0x1f: {  	s9 =	smul.u32 $0xF7A, s1;
	s8 =	simm.s32 @!p0 $0x1BF5;
	p2 =	por !p2, p0  }
0x20: {  	[sflag:s8] =	ssyncset.s32 @!p0 $0xFFFFF086;
	s6 =	sadd.s32 @!p0 s3, s7;
	s7 =	simm.s32 @!p0 $0x108  }
0x21: {  	s3 =	sadd.s32 s3, s9;
	s6 =	sadd.s32 @!p0 $0x88, s6;
	s7 =	simm.s32 @p2 $0x1082  }
0x22: {  	[simem:s7], [sflag:s8] =	dma.local @!p0 [hbm:s6], $0xF7A  }
0x23: {  	s9 =	sor.u32 $0xD0000000, s2;
	s6 =	simm.s32 $0x108;
	_ =	swait.ge @!p0 [sflag:s8], $0x0  }
0x24: {  	s3 =	sadd.s32 $0x88, s3;
	s6 =	simm.s32 @!p1 $0x1082;
	[sflag:s4] =	ssyncset.s32 $0xFFFFF086  }
0x25: {  	[simem:s6], [sflag:s4] =	dma.local [hbm:s3], $0xF7A  }
0x26: {  	[smem:$0x3F9A] =	sst s1;
	(tag) =	ssettag s2;
	_ =	strace s9  }
0x27: {  	s1 =	sld [smem:$0x3FAA]  }
0x28: {  	s2 =	sld [smem:$0x3FAB]  }
0x29: {  	s4 =	sld [smem:$0x3FAD]  }
0x2a: {  	p0 =	seq.s32 s5, $0x0;
	s5 =	sld [smem:$0x3FAE]  }
0x2b: {  	s6 =	sld [smem:$0x3FAF]  }
0x2c: {  	s7 =	sld [smem:$0x3FB0]  }
0x2d: {  	s3 =	simm.s32 $0x108;
	s8 =	sld [smem:$0x3FB1]  }
0x2e: {  	s3 =	simm.s32 @!p0 $0x1082;
	s9 =	sld [smem:$0x3FB2]  }
0x2f: {  	lr =	sadd.s32 s0, s3;
	s0 =	sld [smem:$0x3FA9]  }
0x30: {  	s3 =	sld [smem:$0x3FAC]  }
0x31: {  	[smem:$0x3FB5] =	sst s10  }
0x32: {  	s10 =	sld [smem:$0x3FB3];
	_ =	sdelay $0x3  }
0x33: {  	p0 =	seq.s32 s10, $0x1;
	s10 =	sld [smem:$0x3FB5];
	_ =	sdelay $0x3  }
0x34: {  	[smem:$0x3FB5] =	sst s10  }
0x35: {  	s10 =	sld [smem:$0x3FB4];
	_ =	sdelay $0x3  }
0x36: {  	p1 =	seq.s32 s10, $0x1;
	s10 =	sld [smem:$0x3FB5];
	_ =	sdelay $0x3  }
0x37: {  	[smem:$0x3FB5] =	sst s10  }
0x38: {  	s10 =	sld [smem:$0x3FB6]  }
0x39: {  	_ = 	snop;
	(pc) =	sbr.ind lr, $3  }
0x3a: {  	_ = 	snop  }
0x3b: {  	_ = 	snop  }
0x3c: {  	p2 =	seq.s32 s10, $0x1;
	s10 =	sld [smem:$0x3FB5]  }
0x3d: {  	_ =	shalt  }
0x3e: {  	_ =	shalt  }
0x3f: {  	_ =	shalt  }
0x40: {  	_ =	shalt  }
0x41: {  	_ =	shalt  }
0x42: {  	_ =	shalt  }
0x43: {  	_ =	shalt  }
0x44: {  	_ =	shalt  }
0x45: {  	_ =	shalt  }
0x46: {  	_ =	shalt  }
0x47: {  	_ =	shalt  }
0x48: {  	_ =	shalt  }
0x49: {  	_ =	shalt  }
0x4a: {  	_ =	shalt  }
0x4b: {  	_ =	shalt  }
0x4c: {  	_ =	shalt  }
0x4d: {  	_ =	shalt  }
0x4e: {  	_ =	shalt  }
0x4f: {  	_ =	shalt  }
0x50: {  	_ =	shalt  }
0x51: {  	_ =	shalt  }
0x52: {  	_ =	shalt  }
0x53: {  	_ =	shalt  }
0x54: {  	_ =	shalt  }
0x55: {  	_ =	shalt  }
0x56: {  	_ =	shalt  }
0x57: {  	_ =	shalt  }
0x58: {  	_ =	shalt  }
0x59: {  	_ =	shalt  }
0x5a: {  	_ =	shalt  }
0x5b: {  	_ =	shalt  }
0x5c: {  	_ =	shalt  }
0x5d: {  	_ =	shalt  }
0x5e: {  	_ =	shalt  }
0x5f: {  	_ =	shalt  }
0x60: {  	_ =	shalt  }
0x61: {  	_ =	shalt  }
0x62: {  	_ =	shalt  }
0x63: {  	_ =	shalt  }
0x64: {  	_ =	shalt  }
0x65: {  	_ =	shalt  }
0x66: {  	_ =	shalt  }
0x67: {  	_ =	shalt  }
0x68: {  	_ =	shalt  }
0x69: {  	_ =	shalt  }
0x6a: {  	_ =	shalt  }
0x6b: {  	_ =	shalt  }
0x6c: {  	_ =	shalt  }
0x6d: {  	_ =	shalt  }
0x6e: {  	_ =	shalt  }
0x6f: {  	_ =	shalt  }
0x70: {  	_ =	shalt  }
0x71: {  	_ =	shalt  }
0x72: {  	_ =	shalt  }
0x73: {  	_ =	shalt  }
0x74: {  	_ =	shalt  }
0x75: {  	_ =	shalt  }
0x76: {  	_ =	shalt  }
0x77: {  	_ =	shalt  }
0x78: {  	_ =	shalt  }
0x79: {  	_ =	shalt  }
0x7a: {  	_ =	shalt  }
0x7b: {  	_ =	shalt  }
0x7c: {  	_ =	shalt  }
0x7d: {  	_ =	shalt  }
0x7e: {  	_ =	shalt  }
0x7f: {  	_ =	shalt  }
0x80: {  	_ =	shalt  }
0x81: {  	_ =	shalt  }
0x82: {  	_ =	shalt  }
0x83: {  	_ =	shalt  }
0x84: {  	_ =	shalt  }
0x85: {  	_ =	shalt  }
0x86: {  	_ =	shalt  }
0x87: {  	_ =	shalt  }
.Lfunc_end0:
.L_simem_size_0:
called_computation_lowered:
.L_overlay_start_0:
0x88: {  	s2 =	sld [smem:$0x3FD9]  }
0x89: {  	s3 =	sld [smem:$0x3FFE];
	_ =	sdelay $0x1  }
0x8a: {  	s1 =	srdreg.scid  }
0x8b: {  	s0 =	sand.u32 $0x1, s1  }
0x8c: {  	s17 =	sshll.u32 s0, $0xA;
	s2 =	sadd.s32 s3, s2  }
0x8d: {  	s2 =	sadd.s32 s2, s17  }
0x8e: {  	[smem:$0x3FC1] =	sst s2  }
0x8f: {  	_ = 	snop  }
0x90: {  	s2 =	sld [smem:$0x3FD0];
	(tm) =	ssettm $0x1  }
0x91: {  	s18 =	sld [smem:$0x3FFB];
	_ =	sdelay $0x3  }
0x92: {  	_ =	strace s18  }
0x93: {  	s3 =	sld [smem:$0x3FFC];
	_ =	sdelay $0x3  }
0x94: {  	_ =	strace s3  }
0x95: {  	s3 =	sld [smem:$0x3FFD];
	_ =	sdelay $0x3  }
0x96: {  	_ =	strace s3  }
0x97: {  	_ =	strace $0x8FFFFFFF  }
0x98: {  	s19 =	sld [smem:$0x3FDB];
	_ =	sdelay $0x1  }
0x99: {  	s4 =	simm.s32 $_scs_section_size  }
0x9a: {  	s5 =	simm.s32 $_size__tile_overlayer_lowered;
	s6 =	simm.s32 $_tile_overlayer_lowered  }
0x9b: {  	s22 =	simm.s32 $0x1BFF;
	s21 =	sshll.u32 s6, $0x1;
	s3 =	sadd.s32 s4, s19  }
0x9c: {  	s7 =	simm.s32 $0x0;
	s20 =	sshll.u32 s5, $0x1;
	s5 =	sadd.s32 s21, s3  }
0x9d: {  	[timem:s7], [sflag:s22] =	dma.local [hbm:s5], s20  }
0x9e: {  	_ =	swait.ge [sflag:s22], s20  }
0x9f: {  	s4 =	ssub.s32 $0x0, s20;
	[sflag:s22] =	ssyncset.done $0x0  }
0xa0: {  	[sflag:s22] =	ssyncadd.s32 s4;
	_ =	sdelay $0x1  }
0xa1: {  	s23 =	simm.s32 $0x1B8B  }
0xa2: {  	_ =	swait.ge [sflag:s23], $0x1  }
0xa3: {  	[sflag:s23] =	ssyncset.done $0x0  }
0xa4: {  	s25 =	simm.s32 $0x1B8E;
	s24 =	sld [smem:$0x3FFE];
	[sflag:s23] =	ssyncadd.s32 $0xFFFFFFFF  }
0xa5: {  	s26 =	simm.s32 $execute0_lowered;
	[smem:$0x3FD2] =	sst s25  }
0xa6: {  	s5 =	sshll.u32 s26, $0x1;
	_ =	strace $0x80000046;
	[dreg:$0x1] =	wrdreg $0xFFFFFFFF  }
0xa7: {  	s28 =	simm.s32 $_size_execute0_lowered;
	s3 =	sadd.s32 s3, s5;
	[dreg:$0x0] =	wrdreg $0x0  }
0xa8: {  	s5 =	sshll.u32 s28, $0x1;
	[dreg:$0x2] =	wrdreg s3  }
0xa9: {  	[dreg:$0x3] =	wrdreg s5  }
0xaa: {  	[dreg:$0x4] =	wrdreg $0xC0  }
0xab: {  	_ =	task [dreg:s7], $0x5FFFF  }
0xac: {  	[dreg:$0x1] =	wrdreg $0xFFFFFFFF  }
0xad: {  	[dreg:$0x0] =	wrdreg $0x60  }
0xae: {  	[dreg:$0x2] =	wrdreg s2  }
0xaf: {  	[dreg:$0x3] =	wrdreg s24  }
0xb0: {  	[dreg:$0x4] =	wrdreg $0x0  }
0xb1: {  	[dreg:$0x5] =	wrdreg $0x9  }
0xb2: {  	_ =	task.clear_ibuf [dreg:s7], $0x6FFFF;
	_ =	strace $0x90000046  }
0xb3: {  	s29 =	simm.s32 $0x9;
	_ =	strace $0x80000048  }
0xb4: {  	_ =	swait.ge [sflag:s29], $0x1  }
0xb5: {  	[sflag:s29] =	ssyncadd.s32 $0xFFFFFFFF  }
0xb6: {  	_ =	strace $0x90000048  }
0xb7: {  	_ =	sfence  }
0xb8: {  	s30 =	sld [smem:$0x0];
	_ =	sdelay $0x2  }
0xb9: {  	s31 =	sshll.u32 s1, $0xD;
	s1 =	sshrl.u32 s1, $0x2  }
0xba: {  	s3 =	sand.u32 $0x4000, s31;
	s1 =	sadd.s32 s1, s30  }
0xbb: {  	s0 =	sor.u32 s3, s0;
	s1 =	sshll.u32 s1, $0x11  }
0xbc: {  	s0 =	sor.u32 s1, s0  }
0xbd: {  	s0 =	sadd.s32 $0x8F2B, s0  }
0xbe: {  	[sflag:s0] =	ssyncadd.remote.s32 $0x1  }
0xbf: {  	_ =	sfence.sel $0xFFFF  }
0xc0: {  	[dreg:$0x0] =	wrdreg $0xFFFFFFFF;
	(pc) =	sbr.abs _section_cstart, $3  }
0xc1: {  	[dreg:$0x1] =	wrdreg $0xFFFFFFFF  }
0xc2: {  	_ =	task.clear_ibuf [dreg:s7], $0x2FFFF;
	_ =	strace $0x9FFFFFFF  }
0xc3: {  	(tm) =	ssettm $0x7FFFFFFF  }
tec
execute0_lowered:
.L_overlay_start_1:
0x0: {  	(tag) =	ssettag $0x1  }
0x1: {  	s7 =	rddreg [dreg:$0x0]  }
0x2: {  	s0 =	rddreg [dreg:$0x1]  }
0x3: {  	s3 =	rddreg [dreg:$0x2];
	s2 =	simm.s32 $0x0  }
0x4: {  	[smem:$0x7FF] =	sst s2;
	s9 =	sadd.s32 $0x2A00, s0  }
0x5: {  	s20 =	sadd.s32 $0xBB800, s7;
	_ =	strace $0x80000047;
	[dreg:$0x4] =	wrdreg s9  }
0x6: {  	s1 =	srdreg.scid;
	s26 =	sadd.s32 $0xB71B0, s3;
	[dreg:$0x8] =	wrdreg s20  }
0x7: {  	s8 =	stileid.u32;
	s28 =	sadd.s32 $0xB98C0, s3;
	[dreg:$0x10] =	wrdreg s26  }
0x8: {  	s1 =	sand.u32 $0x1, s1;
	s29 =	sadd.s32 $0xBBFD0, s3;
	[dreg:$0x11] =	wrdreg s28  }
0x9: {  	s17 =	smul.u32 $0x190, s8;
	s30 =	sadd.s32 $0xBE6E0, s3;
	[dreg:$0x12] =	wrdreg s29  }
0xa: {  	s19 =	smul.u32 $0xC8000, s8;
	s31 =	sadd.s32 $0xC0DF0, s3;
	[dreg:$0x13] =	wrdreg s30  }
0xb: {  	s4 =	ssub.s32 $0x2, s1;
	s1 =	sshll.u32 s1, $0x7;
	[dreg:$0x14] =	wrdreg s31  }
0xc: {  	s6 =	smul.u32 $0x30D40, s8;
	s5 =	sshrl.u32 s4, $0x1;
	[dreg:$0x6] =	wrdreg s1  }
0xd: {  	s2 =	sadd.s32 s17, s0;
	[dreg:$0x7] =	wrdreg s19;
	s0 =	sadd.s32 $0xBE200, s0  }
0xe: {  	s18 =	sshrl.u32 s6, $0x2;
	s2 =	sadd.s32 $0x1000, s2;
	[dreg:$0xa] =	wrdreg s0  }
0xf: {  	s4 =	ssub.s32 s4, s5;
	s1 =	sadd.s32 s18, s3;
	[dreg:$0x5] =	wrdreg s2  }
0x10: {  	s21 =	smax.u32 s4, $0x1;
	[dreg:$0x9] =	wrdreg s1  }
.Ltmp0:
0x11: {  	s22 =	sadd.s32 $0x2710, s1;
	[dreg:$0xb] =	wrdreg s21;
	(pc) =	sbr.rel .LBB2_1-.Ltmp0, $4  }
0x12: {  	p0 =	sne.s32 s8, $0xF;
	s23 =	sadd.s32 $0x4E20, s1;
	[dreg:$0xc] =	wrdreg s22  }
0x13: {  	s0 =	simm.s32 $0xC350;
	s24 =	sadd.s32 $0x7530, s1;
	[dreg:$0xd] =	wrdreg s23  }
0x14: {  	s25 =	sadd.s32 $0x9C40, s1;
	s2 =	simm.s32 $0x0;
	[dreg:$0xe] =	wrdreg s24  }
0x15: {  	v0 =	vimm.bf16 $0.0e+00;
	[dreg:$0xf] =	wrdreg s25;
	s23 =	simm.s32 $0x3;
	s25 =	simm.s32 $0x80  }
.LBB2_9:
0x16: {  	s2 =	rddreg [dreg:$0x15]  }
0x17: {  	s1 =	rddreg [dreg:$0xb];
	s2 =	sadd.s32 $0x1, s2  }
0x18: {  	p1 =	sne.s32 s2, s1  }
.Ltmp1:
0x19: {  	_ = 	snop;
	(pc) =	sbr.rel @!p1 .LBB2_10-.Ltmp1, $1  }
0x1a: {  	_ =	sdelay $0x3  }
.LBB2_1:
0x1b: {  	[dreg:$0x15] =	wrdreg s2  }
0x1c: {  	s1 =	simm.s32 $0x0;
	s5 =	rddreg [dreg:$0x5];
	s31 =	simm.s32 $0x18B50  }
0x1d: {  	[tilespmem:s31], [sflag:$0x3] =	stream.linear.gather [hbm4b:s5+s1], $0xC80, $0x38;
	[tilespmem:$0x1BEE0] =	vst v63  }
0x1e: {  	_ =	swait.ge [sflag:s23], $0xC80  }
0x1f: {  	[sflag:s23] =	ssyncset.done $0x0  }
0x20: {  	s1 =	simm.s32 $0x0;
	[sflag:s23] =	ssyncadd.s32 $0xFFFFF380  }
.LBB2_2:
0x21: {  	p1 =	sne.s32 s1, $0x9C00  }
.Ltmp2:
0x22: {  	_ = 	snop;
	(pc) =	sbr.rel @p1 .LBB2_2-.Ltmp2, $3  }
0x23: {  	_ =	sdelay $0x1  }
0x24: {  	s5 =	sshra.s32 s1, $0x2  }
0x25: {  	s1 =	sadd.s32 $0x40, s1;
	[tilespmem:s5+$0x197D0] =	vst v0  }
.Ltmp3:
0x26: {  	(pc) =	sbr.rel .LBB2_4-.Ltmp3, $2  }
0x27: {  	_ =	sdelay $0x2  }
0x28: {  	s12 =	simm.s32 $0x0  }
.LBB2_11:
0x29: {  	s5 =	rddreg [dreg:$0x7]  }
0x2a: {  	s1 =	sadd.s32 s5, s1  }
0x2b: {  	s24 =	rddreg [dreg:$0x0];
	s26 =	simm.s32 $0x10;
	s0 =	sshrl.u32 s1, $0x4  }
0x2c: {  	s28 =	simm.s32 $0xC350;
	s30 =	rddreg [dreg:$0x9];
	s5 =	sadd.s32 s24, s0  }
0x2d: {  	[tilespmem:s28], [sflag:$0x2] =	stream.strided.gather [hbm4b:s5+s26], $0xC800, s25, s26, $0x38;
	[tilespmem:$0x1BEE0] =	vst v63  }
0x2e: {  	s31 =	simm.s32 $0x197D0;
	[dreg:$0x17] =	wrdreg s0  }
0x2f: {  	[spmem:s30] =	stream.linear.scatter [tilespmem:s31], [sflag:$0x3], $0x2710, $0x38;
	[tilespmem:$0x1BEE0] =	vst v63  }
0x30: {  	_ =	swait.ge [sflag:s23], $0x2710  }
0x31: {  	[sflag:s23] =	ssyncset.done $0x0  }
0x32: {  	s2 =	rddreg [dreg:$0xc];
	[sflag:s23] =	ssyncadd.s32 $0xFFFFD8F0  }
0x33: {  	[spmem:s2] =	stream.linear.scatter [tilespmem:s31], [sflag:$0x3], $0x2710, $0x38;
	[tilespmem:$0x1BEE0] =	vst v63  }
0x34: {  	_ =	swait.ge [sflag:s23], $0x2710  }
0x35: {  	[sflag:s23] =	ssyncset.done $0x0  }
0x36: {  	s4 =	rddreg [dreg:$0xd];
	[sflag:s23] =	ssyncadd.s32 $0xFFFFD8F0  }
0x37: {  	[spmem:s4] =	stream.linear.scatter [tilespmem:s31], [sflag:$0x3], $0x2710, $0x38;
	[tilespmem:$0x1BEE0] =	vst v63  }
0x38: {  	_ =	swait.ge [sflag:s23], $0x2710  }
0x39: {  	[sflag:s23] =	ssyncset.done $0x0  }
0x3a: {  	s6 =	rddreg [dreg:$0xe];
	[sflag:s23] =	ssyncadd.s32 $0xFFFFD8F0  }
0x3b: {  	[spmem:s6] =	stream.linear.scatter [tilespmem:s31], [sflag:$0x3], $0x2710, $0x38;
	[tilespmem:$0x1BEE0] =	vst v63  }
0x3c: {  	_ =	swait.ge [sflag:s23], $0x2710  }
0x3d: {  	[sflag:s23] =	ssyncset.done $0x0  }
0x3e: {  	s7 =	rddreg [dreg:$0xf];
	[sflag:s23] =	ssyncadd.s32 $0xFFFFD8F0  }
0x3f: {  	[spmem:s7] =	stream.linear.scatter [tilespmem:s31], [sflag:$0x3], $0x2710, $0x38;
	[tilespmem:$0x1BEE0] =	vst v63  }
0x40: {  	_ =	swait.ge [sflag:s23], $0x2710  }
0x41: {  	[sflag:s23] =	ssyncset.done $0x0  }
0x42: {  	s8 =	simm.s32 $0x2;
	[sflag:s23] =	ssyncadd.s32 $0xFFFFD8F0  }
0x43: {  	_ =	swait.ge [sflag:s8], $0xC800  }
0x44: {  	[sflag:s8] =	ssyncset.done $0x0  }
0x45: {  	[sflag:s8] =	ssyncadd.s32 $0xFFFF3800  }
0x46: {  	s29 =	simm.s32 $0xC350;
	s9 =	simm.s32 $0x18B50;
	[bflag:$0x0] =	sbarrier.arrive $0xFFFF  }
0x47: {  	[spmem:s3] =	stream.indirect.scatter.add.bf16 [tilespmem:s29], [sflag:$0x1], $0x10, s9, s25, $0xb8;
	[tilespmem:$0x1BEE0] =	vst v63  }
0x48: {  	s10 =	simm.s32 $0x18BD0;
	s9 =	simm.s32 $0xCB50  }
0x49: {  	[spmem:s3] =	stream.indirect.scatter.add.bf16 [tilespmem:s9], [sflag:$0x1], $0x10, s10, s25, $0xb8;
	[tilespmem:$0x1BEE0] =	vst v63  }
0x4a: {  	s11 =	simm.s32 $0x18C50;
	s13 =	simm.s32 $0xD350  }
0x4b: {  	[spmem:s3] =	stream.indirect.scatter.add.bf16 [tilespmem:s13], [sflag:$0x1], $0x10, s11, s25, $0xb8;
	[tilespmem:$0x1BEE0] =	vst v63  }
0x4c: {  	s14 =	simm.s32 $0x18CD0;
	s15 =	simm.s32 $0xDB50  }
0x4d: {  	[spmem:s3] =	stream.indirect.scatter.add.bf16 [tilespmem:s15], [sflag:$0x1], $0x10, s14, s25, $0xb8;
	[tilespmem:$0x1BEE0] =	vst v63  }
0x4e: {  	s16 =	simm.s32 $0x18D50;
	s17 =	simm.s32 $0xE350  }
0x4f: {  	[spmem:s3] =	stream.indirect.scatter.add.bf16 [tilespmem:s17], [sflag:$0x1], $0x10, s16, s25, $0xb8;
	[tilespmem:$0x1BEE0] =	vst v63  }
0x50: {  	s18 =	simm.s32 $0x18DD0;
	s19 =	simm.s32 $0xEB50  }
0x51: {  	[spmem:s3] =	stream.indirect.scatter.add.bf16 [tilespmem:s19], [sflag:$0x1], $0x10, s18, s25, $0xb8;
	[tilespmem:$0x1BEE0] =	vst v63  }
0x52: {  	s20 =	simm.s32 $0x18E50;
	s21 =	simm.s32 $0xF350  }
0x53: {  	[spmem:s3] =	stream.indirect.scatter.add.bf16 [tilespmem:s21], [sflag:$0x1], $0x10, s20, s25, $0xb8;
	[tilespmem:$0x1BEE0] =	vst v63  }
0x54: {  	s22 =	simm.s32 $0x18ED0;
	s24 =	simm.s32 $0xFB50  }
0x55: {  	[spmem:s3] =	stream.indirect.scatter.add.bf16 [tilespmem:s24], [sflag:$0x1], $0x10, s22, s25, $0xb8;
	[tilespmem:$0x1BEE0] =	vst v63  }
0x56: {  	s26 =	simm.s32 $0x18F50;
	s30 =	simm.s32 $0x10350  }
0x57: {  	[spmem:s3] =	stream.indirect.scatter.add.bf16 [tilespmem:s30], [sflag:$0x1], $0x10, s26, s25, $0xb8;
	[tilespmem:$0x1BEE0] =	vst v63  }
0x58: {  	s28 =	simm.s32 $0x18FD0;
	s7 =	simm.s32 $0x10B50  }
0x59: {  	[spmem:s3] =	stream.indirect.scatter.add.bf16 [tilespmem:s7], [sflag:$0x1], $0x10, s28, s25, $0xb8;
	[tilespmem:$0x1BEE0] =	vst v63  }
0x5a: {  	s4 =	simm.s32 $0x11350;
	s29 =	simm.s32 $0x19050  }
0x5b: {  	[spmem:s3] =	stream.indirect.scatter.add.bf16 [tilespmem:s4], [sflag:$0x1], $0x10, s29, s25, $0xb8;
	[tilespmem:$0x1BEE0] =	vst v63  }
0x5c: {  	s31 =	simm.s32 $0x190D0;
	s26 =	simm.s32 $0x11B50  }
0x5d: {  	[spmem:s3] =	stream.indirect.scatter.add.bf16 [tilespmem:s26], [sflag:$0x1], $0x10, s31, s25, $0xb8;
	[tilespmem:$0x1BEE0] =	vst v63  }
0x5e: {  	s1 =	simm.s32 $0x19150;
	s6 =	simm.s32 $0x12350  }
0x5f: {  	[spmem:s3] =	stream.indirect.scatter.add.bf16 [tilespmem:s6], [sflag:$0x1], $0x10, s1, s25, $0xb8;
	[tilespmem:$0x1BEE0] =	vst v63  }
0x60: {  	s2 =	simm.s32 $0x191D0;
	s1 =	simm.s32 $0x12B50  }
0x61: {  	[spmem:s3] =	stream.indirect.scatter.add.bf16 [tilespmem:s1], [sflag:$0x1], $0x10, s2, s25, $0xb8;
	[tilespmem:$0x1BEE0] =	vst v63  }
0x62: {  	s5 =	simm.s32 $0x19250;
	s2 =	simm.s32 $0x13350  }
0x63: {  	[spmem:s3] =	stream.indirect.scatter.add.bf16 [tilespmem:s2], [sflag:$0x1], $0x10, s5, s25, $0xb8;
	[tilespmem:$0x1BEE0] =	vst v63  }
0x64: {  	s8 =	simm.s32 $0x192D0;
	s5 =	simm.s32 $0x13B50  }
0x65: {  	[spmem:s3] =	stream.indirect.scatter.add.bf16 [tilespmem:s5], [sflag:$0x1], $0x10, s8, s25, $0xb8;
	[tilespmem:$0x1BEE0] =	vst v63  }
0x66: {  	s10 =	simm.s32 $0x19350;
	s8 =	simm.s32 $0x14350  }
0x67: {  	[spmem:s3] =	stream.indirect.scatter.add.bf16 [tilespmem:s8], [sflag:$0x1], $0x10, s10, s25, $0xb8;
	[tilespmem:$0x1BEE0] =	vst v63  }
0x68: {  	s11 =	simm.s32 $0x193D0;
	s10 =	simm.s32 $0x14B50  }
0x69: {  	[spmem:s3] =	stream.indirect.scatter.add.bf16 [tilespmem:s10], [sflag:$0x1], $0x10, s11, s25, $0xb8;
	[tilespmem:$0x1BEE0] =	vst v63  }
0x6a: {  	s14 =	simm.s32 $0x19450;
	s11 =	simm.s32 $0x15350  }
0x6b: {  	[spmem:s3] =	stream.indirect.scatter.add.bf16 [tilespmem:s11], [sflag:$0x1], $0x10, s14, s25, $0xb8;
	[tilespmem:$0x1BEE0] =	vst v63  }
0x6c: {  	s16 =	simm.s32 $0x194D0;
	s14 =	simm.s32 $0x15B50  }
0x6d: {  	[spmem:s3] =	stream.indirect.scatter.add.bf16 [tilespmem:s14], [sflag:$0x1], $0x10, s16, s25, $0xb8;
	[tilespmem:$0x1BEE0] =	vst v63  }
0x6e: {  	s18 =	simm.s32 $0x19550;
	s16 =	simm.s32 $0x16350  }
0x6f: {  	[spmem:s3] =	stream.indirect.scatter.add.bf16 [tilespmem:s16], [sflag:$0x1], $0x10, s18, s25, $0xb8;
	[tilespmem:$0x1BEE0] =	vst v63  }
0x70: {  	s20 =	simm.s32 $0x195D0;
	s18 =	simm.s32 $0x16B50  }
0x71: {  	[spmem:s3] =	stream.indirect.scatter.add.bf16 [tilespmem:s18], [sflag:$0x1], $0x10, s20, s25, $0xb8;
	[tilespmem:$0x1BEE0] =	vst v63  }
0x72: {  	s22 =	simm.s32 $0x19650;
	s20 =	simm.s32 $0x17350  }
0x73: {  	[spmem:s3] =	stream.indirect.scatter.add.bf16 [tilespmem:s20], [sflag:$0x1], $0x10, s22, s25, $0xb8;
	[tilespmem:$0x1BEE0] =	vst v63  }
0x74: {  	s28 =	simm.s32 $0x196D0;
	s22 =	simm.s32 $0x17B50  }
0x75: {  	[spmem:s3] =	stream.indirect.scatter.add.bf16 [tilespmem:s22], [sflag:$0x1], $0x10, s28, s25, $0xb8;
	[tilespmem:$0x1BEE0] =	vst v63  }
0x76: {  	s0 =	simm.s32 $0x1;
	s29 =	simm.s32 $0x19750;
	s28 =	simm.s32 $0x18350  }
0x77: {  	[spmem:s3] =	stream.indirect.scatter.add.bf16 [tilespmem:s28], [sflag:$0x1], $0x10, s29, s25, $0xb8;
	[tilespmem:$0x1BEE0] =	vst v63  }
0x78: {  	_ =	swait.ge [sflag:s0], $0xC800  }
0x79: {  	[sflag:s0] =	ssyncset.done $0x0  }
0x7a: {  	[sflag:s0] =	ssyncadd.s32 $0xFFFF3800  }
0x7b: {  	s31 =	simm.s32 $0x18B50;
	s29 =	simm.s32 $0xC350;
	[bflag:$0x0] =	sbarrier.arrive $0xFFFF  }
0x7c: {  	[tilespmem:s29], [sflag:$0x1] =	stream.indirect.gather [spmem:s3], $0x10, s31, s25, $0xb8;
	[tilespmem:$0x1BEE0] =	vst v63  }
0x7d: {  	s31 =	simm.s32 $0x18BD0  }
0x7e: {  	[tilespmem:s9], [sflag:$0x1] =	stream.indirect.gather [spmem:s3], $0x10, s31, s25, $0xb8;
	[tilespmem:$0x1BEE0] =	vst v63  }
0x7f: {  	s31 =	simm.s32 $0x18C50  }
0x80: {  	[tilespmem:s13], [sflag:$0x1] =	stream.indirect.gather [spmem:s3], $0x10, s31, s25, $0xb8;
	[tilespmem:$0x1BEE0] =	vst v63  }
0x81: {  	s29 =	simm.s32 $0x18CD0  }
0x82: {  	[tilespmem:s15], [sflag:$0x1] =	stream.indirect.gather [spmem:s3], $0x10, s29, s25, $0xb8;
	[tilespmem:$0x1BEE0] =	vst v63  }
0x83: {  	s31 =	simm.s32 $0x18D50  }
0x84: {  	[tilespmem:s17], [sflag:$0x1] =	stream.indirect.gather [spmem:s3], $0x10, s31, s25, $0xb8;
	[tilespmem:$0x1BEE0] =	vst v63  }
0x85: {  	s13 =	simm.s32 $0x18DD0  }
0x86: {  	[tilespmem:s19], [sflag:$0x1] =	stream.indirect.gather [spmem:s3], $0x10, s13, s25, $0xb8;
	[tilespmem:$0x1BEE0] =	vst v63  }
0x87: {  	s15 =	simm.s32 $0x18E50  }
0x88: {  	[tilespmem:s21], [sflag:$0x1] =	stream.indirect.gather [spmem:s3], $0x10, s15, s25, $0xb8;
	[tilespmem:$0x1BEE0] =	vst v63  }
0x89: {  	s17 =	simm.s32 $0x18ED0  }
0x8a: {  	[tilespmem:s24], [sflag:$0x1] =	stream.indirect.gather [spmem:s3], $0x10, s17, s25, $0xb8;
	[tilespmem:$0x1BEE0] =	vst v63  }
0x8b: {  	s19 =	simm.s32 $0x18F50  }
0x8c: {  	[tilespmem:s30], [sflag:$0x1] =	stream.indirect.gather [spmem:s3], $0x10, s19, s25, $0xb8;
	[tilespmem:$0x1BEE0] =	vst v63  }
0x8d: {  	s21 =	simm.s32 $0x18FD0  }
0x8e: {  	[tilespmem:s7], [sflag:$0x1] =	stream.indirect.gather [spmem:s3], $0x10, s21, s25, $0xb8;
	[tilespmem:$0x1BEE0] =	vst v63  }
0x8f: {  	s24 =	simm.s32 $0x19050  }
0x90: {  	[tilespmem:s4], [sflag:$0x1] =	stream.indirect.gather [spmem:s3], $0x10, s24, s25, $0xb8;
	[tilespmem:$0x1BEE0] =	vst v63  }
0x91: {  	s29 =	simm.s32 $0x190D0  }
0x92: {  	[tilespmem:s26], [sflag:$0x1] =	stream.indirect.gather [spmem:s3], $0x10, s29, s25, $0xb8;
	[tilespmem:$0x1BEE0] =	vst v63  }
0x93: {  	s30 =	simm.s32 $0x19150  }
0x94: {  	[tilespmem:s6], [sflag:$0x1] =	stream.indirect.gather [spmem:s3], $0x10, s30, s25, $0xb8;
	[tilespmem:$0x1BEE0] =	vst v63  }
0x95: {  	s31 =	simm.s32 $0x191D0  }
0x96: {  	[tilespmem:s1], [sflag:$0x1] =	stream.indirect.gather [spmem:s3], $0x10, s31, s25, $0xb8;
	[tilespmem:$0x1BEE0] =	vst v63  }
0x97: {  	s4 =	simm.s32 $0x19250  }
0x98: {  	[tilespmem:s2], [sflag:$0x1] =	stream.indirect.gather [spmem:s3], $0x10, s4, s25, $0xb8;
	[tilespmem:$0x1BEE0] =	vst v63  }
0x99: {  	s6 =	simm.s32 $0x192D0  }
0x9a: {  	[tilespmem:s5], [sflag:$0x1] =	stream.indirect.gather [spmem:s3], $0x10, s6, s25, $0xb8;
	[tilespmem:$0x1BEE0] =	vst v63  }
0x9b: {  	s7 =	simm.s32 $0x19350  }
0x9c: {  	[tilespmem:s8], [sflag:$0x1] =	stream.indirect.gather [spmem:s3], $0x10, s7, s25, $0xb8;
	[tilespmem:$0x1BEE0] =	vst v63  }
0x9d: {  	s9 =	simm.s32 $0x193D0  }
0x9e: {  	[tilespmem:s10], [sflag:$0x1] =	stream.indirect.gather [spmem:s3], $0x10, s9, s25, $0xb8;
	[tilespmem:$0x1BEE0] =	vst v63  }
0x9f: {  	s10 =	simm.s32 $0x19450  }
0xa0: {  	[tilespmem:s11], [sflag:$0x1] =	stream.indirect.gather [spmem:s3], $0x10, s10, s25, $0xb8;
	[tilespmem:$0x1BEE0] =	vst v63  }
0xa1: {  	s13 =	simm.s32 $0x194D0  }
0xa2: {  	[tilespmem:s14], [sflag:$0x1] =	stream.indirect.gather [spmem:s3], $0x10, s13, s25, $0xb8;
	[tilespmem:$0x1BEE0] =	vst v63  }
0xa3: {  	s15 =	simm.s32 $0x19550  }
0xa4: {  	[tilespmem:s16], [sflag:$0x1] =	stream.indirect.gather [spmem:s3], $0x10, s15, s25, $0xb8;
	[tilespmem:$0x1BEE0] =	vst v63  }
0xa5: {  	s17 =	simm.s32 $0x195D0  }
0xa6: {  	[tilespmem:s18], [sflag:$0x1] =	stream.indirect.gather [spmem:s3], $0x10, s17, s25, $0xb8;
	[tilespmem:$0x1BEE0] =	vst v63  }
0xa7: {  	s19 =	simm.s32 $0x19650  }
0xa8: {  	[tilespmem:s20], [sflag:$0x1] =	stream.indirect.gather [spmem:s3], $0x10, s19, s25, $0xb8;
	[tilespmem:$0x1BEE0] =	vst v63  }
0xa9: {  	s21 =	simm.s32 $0x196D0  }
0xaa: {  	[tilespmem:s22], [sflag:$0x1] =	stream.indirect.gather [spmem:s3], $0x10, s21, s25, $0xb8;
	[tilespmem:$0x1BEE0] =	vst v63  }
0xab: {  	s24 =	simm.s32 $0x19750  }
0xac: {  	[tilespmem:s28], [sflag:$0x1] =	stream.indirect.gather [spmem:s3], $0x10, s24, s25, $0xb8;
	[tilespmem:$0x1BEE0] =	vst v63  }
0xad: {  	_ =	swait.ge [sflag:s0], $0xC800  }
0xae: {  	s26 =	rddreg [dreg:$0x4]  }
0xaf: {  	s30 =	simm.s32 $0x10;
	[sflag:s0] =	ssyncset.done $0x0;
	s28 =	rddreg [dreg:$0x17]  }
0xb0: {  	s31 =	simm.s32 $0xC350;
	[sflag:s0] =	ssyncadd.s32 $0xFFFF3800;
	s29 =	sadd.s32 s26, s28  }
0xb1: {  	[hbm4b:s29+s30] =	stream.strided.scatter [tilespmem:s31], [sflag:$0x3], $0xC800, s25, s30, $0x38;
	[tilespmem:$0x1BEE0] =	vst v63  }
0xb2: {  	_ =	swait.ge [sflag:s23], $0xC800  }
0xb3: {  	[sflag:s23] =	ssyncset.done $0x0  }
0xb4: {  	s0 =	simm.s32 $0xC350;
	[sflag:s23] =	ssyncadd.s32 $0xFFFF3800  }
.LBB2_8:
0xb5: {  	s12 =	sadd.s32 $0x1, s12  }
0xb6: {  	p1 =	sne.s32 s12, $0x4  }
.Ltmp4:
0xb7: {  	_ = 	snop;
	(pc) =	sbr.rel @!p1 .LBB2_9-.Ltmp4, $2  }
0xb8: {  	_ =	sdelay $0x1  }
0xb9: {  	[bflag:$0x0] =	sbarrier.arrive $0xFFFF;
	_ =	sdelay $0x1  }
.LBB2_4:
.Ltmp5:
0xba: {  	(pc) =	sbr.rel @p0 .LBB2_11-.Ltmp5, $3  }
0xbb: {  	_ =	sdelay $0x1  }
0xbc: {  	s1 =	sshll.u32 s12, $0x5;
	s5 =	rddreg [dreg:$0x6]  }
0xbd: {  	s1 =	sadd.s32 s5, s1  }
0xbe: {  	s1 =	sshrl.u32 s1, $0x4;
	s5 =	rddreg [dreg:$0x8]  }
0xbf: {  	s2 =	simm.s32 $0x10;
	s24 =	rddreg [dreg:$0x10];
	s5 =	sadd.s32 s1, s5  }
0xc0: {  	[tilespmem:s0], [sflag:$0x2] =	stream.strided.gather [hbm4b:s5+s2], $0x7D00, s25, s2, $0x38;
	[tilespmem:$0x1BEE0] =	vst v63  }
0xc1: {  	s26 =	simm.s32 $0x197D0;
	[dreg:$0x16] =	wrdreg s1  }
0xc2: {  	[spmem:s24] =	stream.linear.scatter [tilespmem:s26], [sflag:$0x3], $0x2710, $0x38;
	[tilespmem:$0x1BEE0] =	vst v63  }
0xc3: {  	_ =	swait.ge [sflag:s23], $0x2710  }
0xc4: {  	[sflag:s23] =	ssyncset.done $0x0  }
0xc5: {  	s28 =	rddreg [dreg:$0x11];
	[sflag:s23] =	ssyncadd.s32 $0xFFFFD8F0  }
0xc6: {  	[spmem:s28] =	stream.linear.scatter [tilespmem:s26], [sflag:$0x3], $0x2710, $0x38;
	[tilespmem:$0x1BEE0] =	vst v63  }
0xc7: {  	_ =	swait.ge [sflag:s23], $0x2710  }
0xc8: {  	[sflag:s23] =	ssyncset.done $0x0  }
0xc9: {  	s29 =	rddreg [dreg:$0x12];
	[sflag:s23] =	ssyncadd.s32 $0xFFFFD8F0  }
0xca: {  	[spmem:s29] =	stream.linear.scatter [tilespmem:s26], [sflag:$0x3], $0x2710, $0x38;
	[tilespmem:$0x1BEE0] =	vst v63  }
0xcb: {  	_ =	swait.ge [sflag:s23], $0x2710  }
0xcc: {  	[sflag:s23] =	ssyncset.done $0x0  }
0xcd: {  	s30 =	rddreg [dreg:$0x13];
	[sflag:s23] =	ssyncadd.s32 $0xFFFFD8F0  }
0xce: {  	[spmem:s30] =	stream.linear.scatter [tilespmem:s26], [sflag:$0x3], $0x2710, $0x38;
	[tilespmem:$0x1BEE0] =	vst v63  }
0xcf: {  	_ =	swait.ge [sflag:s23], $0x2710  }
0xd0: {  	[sflag:s23] =	ssyncset.done $0x0  }
0xd1: {  	s31 =	rddreg [dreg:$0x14];
	[sflag:s23] =	ssyncadd.s32 $0xFFFFD8F0  }
0xd2: {  	[spmem:s31] =	stream.linear.scatter [tilespmem:s26], [sflag:$0x3], $0x2710, $0x38;
	[tilespmem:$0x1BEE0] =	vst v63  }
0xd3: {  	_ =	swait.ge [sflag:s23], $0x2710  }
0xd4: {  	[sflag:s23] =	ssyncset.done $0x0  }
0xd5: {  	s8 =	simm.s32 $0x0;
	s5 =	simm.s32 $0x40;
	[sflag:s23] =	ssyncadd.s32 $0xFFFFD8F0  }
.LBB2_6:
0xd6: {  	p1 =	seq.s32 s5, $0xBC0;
	[tilespmem:s8+$0x14050] =	vst v0;
	s8 =	smov.u32 s5;
	s5 =	sadd.s32 $0x40, s5  }
.Ltmp6:
0xd7: {  	(pc) =	sbr.rel @!p1 .LBB2_6-.Ltmp6, $2  }
0xd8: {  	_ =	sdelay $0x2  }
0xd9: {  	s8 =	sshra.s32 s8, $0x2  }
0xda: {  	[tilespmem:s8+$0x14050] =	vst v0;
	s0 =	simm.s32 $0x2  }
0xdb: {  	_ =	swait.ge [sflag:s0], $0x7D00  }
0xdc: {  	[sflag:s0] =	ssyncset.done $0x0  }
0xdd: {  	[sflag:s0] =	ssyncadd.s32 $0xFFFF8300  }
0xde: {  	s1 =	simm.s32 $0x18B50;
	s29 =	simm.s32 $0xC350;
	[bflag:$0x0] =	sbarrier.arrive $0xFFFF  }
0xdf: {  	[spmem:s3] =	stream.indirect.scatter.add.bf16 [tilespmem:s29], [sflag:$0x1], $0x10, s1, s25, $0xb8;
	[tilespmem:$0x1BEE0] =	vst v63  }
0xe0: {  	s30 =	simm.s32 $0x18BD0;
	s11 =	simm.s32 $0xCB50  }
0xe1: {  	[spmem:s3] =	stream.indirect.scatter.add.bf16 [tilespmem:s11], [sflag:$0x1], $0x10, s30, s25, $0xb8;
	[tilespmem:$0x1BEE0] =	vst v63  }
0xe2: {  	s10 =	simm.s32 $0x18C50;
	s13 =	simm.s32 $0xD350  }
0xe3: {  	[spmem:s3] =	stream.indirect.scatter.add.bf16 [tilespmem:s13], [sflag:$0x1], $0x10, s10, s25, $0xb8;
	[tilespmem:$0x1BEE0] =	vst v63  }
0xe4: {  	s14 =	simm.s32 $0x18CD0;
	s15 =	simm.s32 $0xDB50  }
0xe5: {  	[spmem:s3] =	stream.indirect.scatter.add.bf16 [tilespmem:s15], [sflag:$0x1], $0x10, s14, s25, $0xb8;
	[tilespmem:$0x1BEE0] =	vst v63  }
0xe6: {  	s16 =	simm.s32 $0x18D50;
	s17 =	simm.s32 $0xE350  }
0xe7: {  	[spmem:s3] =	stream.indirect.scatter.add.bf16 [tilespmem:s17], [sflag:$0x1], $0x10, s16, s25, $0xb8;
	[tilespmem:$0x1BEE0] =	vst v63  }
0xe8: {  	s18 =	simm.s32 $0x18DD0;
	s19 =	simm.s32 $0xEB50  }
0xe9: {  	[spmem:s3] =	stream.indirect.scatter.add.bf16 [tilespmem:s19], [sflag:$0x1], $0x10, s18, s25, $0xb8;
	[tilespmem:$0x1BEE0] =	vst v63  }
0xea: {  	s20 =	simm.s32 $0x18E50;
	s21 =	simm.s32 $0xF350  }
0xeb: {  	[spmem:s3] =	stream.indirect.scatter.add.bf16 [tilespmem:s21], [sflag:$0x1], $0x10, s20, s25, $0xb8;
	[tilespmem:$0x1BEE0] =	vst v63  }
0xec: {  	s31 =	simm.s32 $0x18ED0;
	s24 =	simm.s32 $0xFB50  }
0xed: {  	[spmem:s3] =	stream.indirect.scatter.add.bf16 [tilespmem:s24], [sflag:$0x1], $0x10, s31, s25, $0xb8;
	[tilespmem:$0x1BEE0] =	vst v63  }
0xee: {  	s22 =	simm.s32 $0x18F50;
	s30 =	simm.s32 $0x10350  }
0xef: {  	[spmem:s3] =	stream.indirect.scatter.add.bf16 [tilespmem:s30], [sflag:$0x1], $0x10, s22, s25, $0xb8;
	[tilespmem:$0x1BEE0] =	vst v63  }
0xf0: {  	s7 =	simm.s32 $0x10B50;
	s31 =	simm.s32 $0x18FD0  }
0xf1: {  	[spmem:s3] =	stream.indirect.scatter.add.bf16 [tilespmem:s7], [sflag:$0x1], $0x10, s31, s25, $0xb8;
	[tilespmem:$0x1BEE0] =	vst v63  }
0xf2: {  	s4 =	simm.s32 $0x11350;
	s1 =	simm.s32 $0x19050  }
0xf3: {  	[spmem:s3] =	stream.indirect.scatter.add.bf16 [tilespmem:s4], [sflag:$0x1], $0x10, s1, s25, $0xb8;
	[tilespmem:$0x1BEE0] =	vst v63  }
0xf4: {  	s26 =	simm.s32 $0x11B50;
	s29 =	simm.s32 $0x190D0  }
0xf5: {  	[spmem:s3] =	stream.indirect.scatter.add.bf16 [tilespmem:s26], [sflag:$0x1], $0x10, s29, s25, $0xb8;
	[tilespmem:$0x1BEE0] =	vst v63  }
0xf6: {  	s2 =	simm.s32 $0x19150;
	s6 =	simm.s32 $0x12350  }
0xf7: {  	[spmem:s3] =	stream.indirect.scatter.add.bf16 [tilespmem:s6], [sflag:$0x1], $0x10, s2, s25, $0xb8;
	[tilespmem:$0x1BEE0] =	vst v63  }
0xf8: {  	s5 =	simm.s32 $0x191D0;
	s1 =	simm.s32 $0x12B50  }
0xf9: {  	[spmem:s3] =	stream.indirect.scatter.add.bf16 [tilespmem:s1], [sflag:$0x1], $0x10, s5, s25, $0xb8;
	[tilespmem:$0x1BEE0] =	vst v63  }
0xfa: {  	s28 =	simm.s32 $0x19250;
	s2 =	simm.s32 $0x13350  }
0xfb: {  	[spmem:s3] =	stream.indirect.scatter.add.bf16 [tilespmem:s2], [sflag:$0x1], $0x10, s28, s25, $0xb8;
	[tilespmem:$0x1BEE0] =	vst v63  }
0xfc: {  	s8 =	simm.s32 $0x192D0;
	s0 =	simm.s32 $0x1;
	s5 =	simm.s32 $0x13B50  }
0xfd: {  	[spmem:s3] =	stream.indirect.scatter.add.bf16 [tilespmem:s5], [sflag:$0x1], $0x10, s8, s25, $0xb8;
	[tilespmem:$0x1BEE0] =	vst v63  }
0xfe: {  	_ =	swait.ge [sflag:s0], $0x8000  }
0xff: {  	[sflag:s0] =	ssyncset.done $0x0  }
0x100: {  	[sflag:s0] =	ssyncadd.s32 $0xFFFF8000  }
0x101: {  	s9 =	simm.s32 $0x18B50;
	s8 =	simm.s32 $0xC350;
	[bflag:$0x0] =	sbarrier.arrive $0xFFFF  }
0x102: {  	[tilespmem:s8], [sflag:$0x1] =	stream.indirect.gather [spmem:s3], $0x10, s9, s25, $0xb8;
	[tilespmem:$0x1BEE0] =	vst v63  }
0x103: {  	s9 =	simm.s32 $0x18BD0  }
0x104: {  	[tilespmem:s11], [sflag:$0x1] =	stream.indirect.gather [spmem:s3], $0x10, s9, s25, $0xb8;
	[tilespmem:$0x1BEE0] =	vst v63  }
0x105: {  	_ = 	snop  }
0x106: {  	[tilespmem:s13], [sflag:$0x1] =	stream.indirect.gather [spmem:s3], $0x10, s10, s25, $0xb8;
	[tilespmem:$0x1BEE0] =	vst v63  }
0x107: {  	_ = 	snop  }
0x108: {  	[tilespmem:s15], [sflag:$0x1] =	stream.indirect.gather [spmem:s3], $0x10, s14, s25, $0xb8;
	[tilespmem:$0x1BEE0] =	vst v63  }
0x109: {  	_ = 	snop  }
0x10a: {  	[tilespmem:s17], [sflag:$0x1] =	stream.indirect.gather [spmem:s3], $0x10, s16, s25, $0xb8;
	[tilespmem:$0x1BEE0] =	vst v63  }
0x10b: {  	_ = 	snop  }
0x10c: {  	[tilespmem:s19], [sflag:$0x1] =	stream.indirect.gather [spmem:s3], $0x10, s18, s25, $0xb8;
	[tilespmem:$0x1BEE0] =	vst v63  }
0x10d: {  	_ = 	snop  }
0x10e: {  	[tilespmem:s21], [sflag:$0x1] =	stream.indirect.gather [spmem:s3], $0x10, s20, s25, $0xb8;
	[tilespmem:$0x1BEE0] =	vst v63  }
0x10f: {  	s19 =	simm.s32 $0x18ED0  }
0x110: {  	[tilespmem:s24], [sflag:$0x1] =	stream.indirect.gather [spmem:s3], $0x10, s19, s25, $0xb8;
	[tilespmem:$0x1BEE0] =	vst v63  }
0x111: {  	_ = 	snop  }
0x112: {  	[tilespmem:s30], [sflag:$0x1] =	stream.indirect.gather [spmem:s3], $0x10, s22, s25, $0xb8;
	[tilespmem:$0x1BEE0] =	vst v63  }
0x113: {  	_ = 	snop  }
0x114: {  	[tilespmem:s7], [sflag:$0x1] =	stream.indirect.gather [spmem:s3], $0x10, s31, s25, $0xb8;
	[tilespmem:$0x1BEE0] =	vst v63  }
0x115: {  	s20 =	simm.s32 $0x19050  }
0x116: {  	[tilespmem:s4], [sflag:$0x1] =	stream.indirect.gather [spmem:s3], $0x10, s20, s25, $0xb8;
	[tilespmem:$0x1BEE0] =	vst v63  }
0x117: {  	_ = 	snop  }
0x118: {  	[tilespmem:s26], [sflag:$0x1] =	stream.indirect.gather [spmem:s3], $0x10, s29, s25, $0xb8;
	[tilespmem:$0x1BEE0] =	vst v63  }
0x119: {  	s21 =	simm.s32 $0x19150  }
0x11a: {  	[tilespmem:s6], [sflag:$0x1] =	stream.indirect.gather [spmem:s3], $0x10, s21, s25, $0xb8;
	[tilespmem:$0x1BEE0] =	vst v63  }
0x11b: {  	s22 =	simm.s32 $0x191D0  }
0x11c: {  	[tilespmem:s1], [sflag:$0x1] =	stream.indirect.gather [spmem:s3], $0x10, s22, s25, $0xb8;
	[tilespmem:$0x1BEE0] =	vst v63  }
0x11d: {  	_ = 	snop  }
0x11e: {  	[tilespmem:s2], [sflag:$0x1] =	stream.indirect.gather [spmem:s3], $0x10, s28, s25, $0xb8;
	[tilespmem:$0x1BEE0] =	vst v63  }
0x11f: {  	s24 =	simm.s32 $0x192D0  }
0x120: {  	[tilespmem:s5], [sflag:$0x1] =	stream.indirect.gather [spmem:s3], $0x10, s24, s25, $0xb8;
	[tilespmem:$0x1BEE0] =	vst v63  }
0x121: {  	_ =	swait.ge [sflag:s0], $0x8000  }
0x122: {  	s30 =	simm.s32 $0x10;
	s26 =	rddreg [dreg:$0xa]  }
0x123: {  	s31 =	simm.s32 $0xC350;
	[sflag:s0] =	ssyncset.done $0x0;
	s28 =	rddreg [dreg:$0x16]  }
.Ltmp7:
0x124: {  	[sflag:s0] =	ssyncadd.s32 $0xFFFF8000;
	s29 =	sadd.s32 s28, s26;
	(pc) =	sbr.rel .LBB2_8-.Ltmp7, $4  }
0x125: {  	[hbm4b:s29+s30] =	stream.strided.scatter [tilespmem:s31], [sflag:$0x3], $0x7D00, s25, s30, $0x38;
	[tilespmem:$0x1BEE0] =	vst v63  }
0x126: {  	_ =	swait.ge [sflag:s23], $0x7D00  }
0x127: {  	[sflag:s23] =	ssyncset.done $0x0  }
0x128: {  	s0 =	simm.s32 $0xC350;
	[sflag:s23] =	ssyncadd.s32 $0xFFFF8300  }
.LBB2_10:
0x129: {  	_ =	sfence.sel $0x180000  }
0x12a: {  	[bflag:$0x0] =	sbarrier.arrive $0xFFFF  }
0x12b: {  	_ =	strace $0x90000047  }
0x12c: {  	s0 =	stileid.u32;
	[bflag:$0x2] =	sbarrier.arrive $0xFFFF  }
0x12d: {  	p0 =	sne.s32 s0, $0x0;
	s0 =	rddreg [dreg:$0x3]  }
0x12e: {  	s0 =	sadd.s32 @!p0 $0x100000, s0  }
0x12f: {  	[sflag:s0] =	ssyncadd.tile.s32 @!p0 $0x1;
	_ =	shalt  }
.Lfunc_end2:
_tile_overlayer_lowered:
.L_overlay_start_2:
0x130: {  	(tag) =	ssettag $0x2  }
0x131: {  	s0 =	rddreg [dreg:$0x0];
	s2 =	stileid.u32  }
0x132: {  	s1 =	rddreg [dreg:$0x1];
	p0 =	sne.s32 s2, $0x0  }
0x133: {  	s3 =	rddreg [dreg:$0x2];
	[bflag:$0x3] =	sbarrier.arrive $0xFFFF;
	s2 =	simm.s32 @!p0 $0x1C03  }
0x134: {  	[timem:s3], [sflag:s2] =	dma.local @!p0 [hbm:s0], s1  }
0x135: {  	s0 =	simm.s32 @!p0 $0x3  }
0x136: {  	_ =	swait.ge @!p0 [sflag:s0], s1  }
0x137: {  	s1 =	ssub.s32 @!p0 $0x0, s1;
	[sflag:s0] =	ssyncset.done @!p0 $0x0  }
0x138: {  	[sflag:s0] =	ssyncadd.s32 @!p0 s1  }
0x139: {  	[bflag:$0x3] =	sbarrier.arrive $0xFFFF  }
0x13a: {  	_ =	shalt  }

</sc_bundles>
